<compile_context>
chip_gen: v7x
topology: tpu7x:2x2x1
jax: 0.10.2.dev20260603
libtpu: 0.0.44.dev20260713+nightly
codegen_flags: <defaults>
</compile_context>

<pallas_src>
import functools

import jax
import jax.numpy as jnp
from jax import lax
from jax.experimental import pallas as pl
from jax.experimental.pallas import tpu as pltpu
from jax.experimental.pallas import tpu_sc as plsc

_NK = 8
_NP = 80
_SC_CH = 4096


def _round_bf16_bits(x):
    u = jax.lax.bitcast_convert_type(x, jnp.int32)
    odd = jax.lax.shift_right_logical(u, 16) & 1
    u = (u + 0x7FFF + odd) & jnp.int32(-65536)
    return jax.lax.bitcast_convert_type(u, jnp.float32)


def _prep_params(ys, A):
    eps = 0.0001
    neg = jnp.sum(A * (A < 0), axis=1)
    pos = jnp.sum(A * (A > 0), axis=1)
    ys_full = jnp.concatenate([neg[..., None], ys, pos[..., None]], axis=-1)
    lin = jnp.linspace(0.0, 1.0, _NK + 2)
    xs = lin[None, None, :] * (pos + eps - neg)[..., None] + neg[..., None]
    dx0 = xs[..., 1] - xs[..., 0]
    slopes = jnp.diff(ys_full, axis=-1) / dx0[..., None]
    s0 = slopes[..., 0]
    d = slopes[..., 1:] - slopes[..., :-1]
    knots = xs[..., 1:-1]
    c0 = ys_full[..., 0] - s0 * xs[..., 0] - jnp.sum(d * knots, axis=-1)
    pinv = jnp.linalg.pinv(A)
    B = A.shape[0]
    return jnp.concatenate(
        [
            _round_bf16_bits(A.reshape(B, 9)),
            _round_bf16_bits(pinv.reshape(B, 9)),
            s0,
            c0,
            knots.reshape(B, 24),
            d.reshape(B, 24),
            xs[..., 0],
            xs[..., -1],
            jnp.zeros((B, 2), jnp.float32),
        ],
        axis=-1,
    )


def _spline_16px(P, r, g, b):
    r = _round_bf16_bits(r)
    g = _round_bf16_bits(g)
    b = _round_bf16_bits(b)
    ests = []
    for a in range(3):
        x = r * P(a) + g * P(3 + a) + b * P(6 + a)
        f = P(21 + a) + P(18 + a) * x
        for i in range(_NK):
            f = f + P(48 + a * 8 + i) * jnp.maximum(x, P(24 + a * 8 + i))
        oob = (x < P(72 + a)) | (x > P(75 + a))
        f = jnp.where(oob, 99.0, f)
        ests.append(_round_bf16_bits(f))
    return [
        ests[0] * P(9 + c) + ests[1] * P(12 + c) + ests[2] * P(15 + c)
        for c in range(3)
    ]


def _tc_body(params_ref, raw_ref, out_ref):
    def P(k):
        return params_ref[0, 0, k]

    outs = _spline_16px(P, raw_ref[0, 0], raw_ref[0, 1], raw_ref[0, 2])
    for c in range(3):
        out_ref[0, c] = outs[c]


def _sc_make(B, C, H, W, H_tc, H_sc):
    half_px = H_sc * W // 2
    n_chunks = half_px // _SC_CH
    n_vec = _SC_CH // 16

    @functools.partial(
        pl.kernel,
        out_type=jax.ShapeDtypeStruct((B * C * H_sc * W,), jnp.float32),
        mesh=plsc.VectorSubcoreMesh(core_axis_name="c", subcore_axis_name="s"),
        scratch_types=[
            pltpu.VMEM((_NP, 16), jnp.float32),
            pltpu.VMEM((_SC_CH,), jnp.float32),
            pltpu.VMEM((_SC_CH,), jnp.float32),
            pltpu.VMEM((_SC_CH,), jnp.float32),
            pltpu.VMEM((_SC_CH,), jnp.float32),
            pltpu.VMEM((_SC_CH,), jnp.float32),
            pltpu.VMEM((_SC_CH,), jnp.float32),
        ],
    )
    def sck(raw_hbm, par_hbm, out_hbm, par_v, rv, gv, bv, ro, go, bo):
        cidx = lax.axis_index("c")
        b = lax.axis_index("s")
        pltpu.sync_copy(par_hbm.at[b], par_v)
        pvec = [par_v[k] for k in range(78)]

        def P(k):
            return pvec[k]

        ins = (rv, gv, bv)
        res = (ro, go, bo)

        def chunk(ci, carry):
            off = ci * _SC_CH
            for ch in range(3):
                src = ((b * 3 + ch) * H + H_tc) * W + cidx * half_px + off
                pltpu.sync_copy(raw_hbm.at[pl.ds(src, _SC_CH)], ins[ch])

            def vec(k2, carry2):
                sl = pl.ds(k2 * 16, 16)
                outs = _spline_16px(P, rv[sl], gv[sl], bv[sl])
                for ch in range(3):
                    res[ch][sl] = outs[ch]
                return carry2

            lax.fori_loop(0, n_vec, vec, 0)
            for ch in range(3):
                dst = (b * 3 + ch) * H_sc * W + cidx * half_px + off
                pltpu.sync_copy(res[ch], out_hbm.at[pl.ds(dst, _SC_CH)])
            return carry

        lax.fori_loop(0, n_chunks, chunk, 0)

    return sck


_H_TC = 400
_HB_TC = 200


@jax.jit
def kernel(raw, ys, A):
    B, C, H, W = raw.shape
    H_sc = H - _H_TC
    params = _prep_params(ys, A)
    par_sm = params.reshape(B, 1, _NP)
    par_bcast = jnp.broadcast_to(params[:, :, None], (B, _NP, 16))
    rflat = raw.reshape(B * C * H * W)
    sc_out = _sc_make(B, C, H, W, _H_TC, H_sc)(rflat, par_bcast)
    tc_out = pl.pallas_call(
        _tc_body,
        grid=(B, _H_TC // _HB_TC),
        in_specs=[
            pl.BlockSpec(
                (1, 1, _NP), lambda b, h: (b, 0, 0), memory_space=pltpu.SMEM
            ),
            pl.BlockSpec((1, C, _HB_TC, W), lambda b, h: (b, 0, h, 0)),
        ],
        out_specs=pl.BlockSpec((1, C, _HB_TC, W), lambda b, h: (b, 0, h, 0)),
        out_shape=jax.ShapeDtypeStruct((B, C, _H_TC, W), raw.dtype),
    )(par_sm, raw)
    return jnp.concatenate(
        [tc_out, sc_out.reshape(B, C, H_sc, W)], axis=2
    )

# --- scband reference (transcript-rebuilt; emitter-appended) ---
"""Pipeline reference for scband-axis-simplest-spline-69724499083957 (READ-ONLY COPY).

The authoritative reference and input builder live on the scoring server;
editing this copy changes nothing except your own understanding.
"""

import jax, jax.numpy as jnp
import numpy as np

N_KNOTS = 8
N_AXIS = 3


def setup_inputs(seed: int = 0) -> dict:
    key = jax.random.key(seed)
    k1, k2, k3 = jax.random.split(key, 3)
    raw = jax.random.uniform(k1, (16, 3, 512, 512), dtype=jnp.float32)
    ys = jax.random.uniform(k2, (16, N_AXIS, N_KNOTS), dtype=jnp.float32)
    A = jax.random.normal(k3, (16, 3, N_AXIS), dtype=jnp.float32)
    return {"raw": raw, "ys": ys, "A": A}


def _apply_to_one_channel(raw, ys, xsmin, xsmax):
    # raw: [B, H, W]; ys: [B, K]; xsmin/xsmax: [B]
    eps = 0.0001
    ys_full = jnp.concatenate([
        jnp.ones_like(ys[:, :1]) * xsmin[..., None],
        ys,
        jnp.ones_like(ys[:, :1]) * xsmax[..., None],
    ], axis=1)  # [B, K+2]
    xs = jnp.linspace(0.0, 1.0, N_KNOTS + 2)[None] * (xsmax[..., None] + eps - xsmin[..., None]) + xsmin[..., None]  # [B, K+2]
    slopes = jnp.diff(ys_full, axis=1) / (xs[:, 1] - xs[:, 0])[..., None]  # [B, K+1]
    out = jnp.ones_like(raw) * 99.0
    for i in range(1, N_KNOTS + 2):
        locations = (xs[:, i - 1, None, None] <= raw) & (raw <= xs[:, i, None, None])
        height_to_go = (xs[:, i, None, None] - raw) * slopes[:, i - 1, None, None]
        res = ys_full[:, i, None, None] - height_to_go
        out = jnp.where(locations, res, out)
    return out


def reference(raw, ys, A):
    # raw: [B, 3, H, W]; ys: [B, n_axis, n_knots]; A: [B, 3, n_axis]
    pinv_axis = jnp.linalg.pinv(A)  # [B, n_axis, 3]
    mins = jnp.sum(A * (A < 0), axis=1)  # [B, n_axis]
    maxs = jnp.sum(A * (A > 0), axis=1)  # [B, n_axis]
    B, C, H, W = raw.shape
    finput = raw.transpose(0, 2, 3, 1).reshape(B, H * W, C)
    finput = jnp.einsum('bnc,bca->bna', finput, A)
    finput = finput.reshape(B, H, W, N_AXIS).transpose(0, 3, 1, 2)
    ests = []
    for axes_ind in range(N_AXIS):
        ests.append(_apply_to_one_channel(finput[:, axes_ind], ys[:, axes_ind], mins[:, axes_ind], maxs[:, axes_ind]))
    estimates = jnp.stack(ests, axis=1)  # [B, n_axis, H, W]
    estimates = estimates.transpose(0, 2, 3, 1).reshape(B, H * W, N_AXIS)
    out = jnp.einsum('bna,bac->bnc', estimates, pinv_axis)
    out = out.reshape(B, H, W, 3).transpose(0, 3, 1, 2)
    return out

if __name__ == "__main__":
    import jax
    _d = setup_inputs()
    print(jax.jit(kernel)(*tuple(_d.values())))

</pallas_src>

<mosaic_0001>
#map = affine_map<(d0, d1) -> (0)>
#map1 = affine_map<(d0, d1) -> (0, 0, 0)>
module attributes {stable_mosaic.version = 14 : i64} {
  func.func @sck(%arg0: i32, %arg1: i32, %arg2: memref<12582912xf32, #tpu.memory_space<hbm>>, %arg3: memref<16x80x16xf32, #tpu.memory_space<hbm>>, %arg4: memref<2752512xf32, #tpu.memory_space<hbm>>, %arg5: memref<80x16xf32, #tpu.memory_space<vmem>>, %arg6: memref<4096xf32, #tpu.memory_space<vmem>>, %arg7: memref<4096xf32, #tpu.memory_space<vmem>>, %arg8: memref<4096xf32, #tpu.memory_space<vmem>>, %arg9: memref<4096xf32, #tpu.memory_space<vmem>>, %arg10: memref<4096xf32, #tpu.memory_space<vmem>>, %arg11: memref<4096xf32, #tpu.memory_space<vmem>>) attributes {dimension_semantics = [#tpu.dimension_semantics<core_parallel>, #tpu.dimension_semantics<subcore_parallel>], iteration_bounds = array<i64: 2, 16>, scalar_prefetch = 0 : i64, scratch_operands = 7 : i64, tpu.core_type = #tpu.core_type<sc_vector_subcore>, window_params = [{transform_indices = #map}, {transform_indices = #map1}, {transform_indices = #map}]} {
    "tpu.region"() ({
      %run_scoped3A = tpu.sem_alloc : memref<!tpu.dma_semaphore, #tpu.memory_space<semaphore_mem>>
      %dma_start3A = arith.constant 0 : i32
      %dma_start3A_394 = arith.constant 0 : i32
      %dma_start3A_395 = tpu.memref_slice %arg3[%arg1, %dma_start3A, %dma_start3A_394] : memref<16x80x16xf32, #tpu.memory_space<hbm>> -> memref<1x80x16xf32, #tpu.memory_space<hbm>>
      %dma_start3A_396 = tpu.memref_squeeze %dma_start3A_395 : memref<1x80x16xf32, #tpu.memory_space<hbm>> -> memref<80x16xf32, #tpu.memory_space<hbm>>
      %dma_start3A_397 = arith.constant 0 : i32
      %dma_start3A_398 = arith.constant 0 : i32
      %dma_start3A_399 = tpu.memref_slice %arg3[%arg1, %dma_start3A_397, %dma_start3A_398] : memref<16x80x16xf32, #tpu.memory_space<hbm>> -> memref<1x80x16xf32, #tpu.memory_space<hbm>>
      %dma_start3A_400 = tpu.memref_squeeze %dma_start3A_399 : memref<1x80x16xf32, #tpu.memory_space<hbm>> -> memref<80x16xf32, #tpu.memory_space<hbm>>
      tpu.enqueue_dma source(%dma_start3A_400 : memref<80x16xf32, #tpu.memory_space<hbm>>) target(%arg5 : memref<80x16xf32, #tpu.memory_space<vmem>>) target_semaphore(%run_scoped3A : memref<!tpu.dma_semaphore, #tpu.memory_space<semaphore_mem>>)
      %dma_wait3A = arith.constant 0 : i32
      %dma_wait3A_401 = arith.constant 0 : i32
      %dma_wait3A_402 = tpu.memref_slice %arg3[%arg1, %dma_wait3A, %dma_wait3A_401] : memref<16x80x16xf32, #tpu.memory_space<hbm>> -> memref<1x80x16xf32, #tpu.memory_space<hbm>>
      %dma_wait3A_403 = tpu.memref_squeeze %dma_wait3A_402 : memref<1x80x16xf32, #tpu.memory_space<hbm>> -> memref<80x16xf32, #tpu.memory_space<hbm>>
      %dma_wait3A_404 = arith.constant 0 : i32
      %dma_wait3A_405 = arith.constant 0 : i32
      %dma_wait3A_406 = tpu.memref_slice %arg3[%arg1, %dma_wait3A_404, %dma_wait3A_405] : memref<16x80x16xf32, #tpu.memory_space<hbm>> -> memref<1x80x16xf32, #tpu.memory_space<hbm>>
      %dma_wait3A_407 = tpu.memref_squeeze %dma_wait3A_406 : memref<1x80x16xf32, #tpu.memory_space<hbm>> -> memref<80x16xf32, #tpu.memory_space<hbm>>
      tpu.wait_dma2 semaphore(%run_scoped3A : memref<!tpu.dma_semaphore, #tpu.memory_space<semaphore_mem>>) src(%dma_wait3A_407 : memref<80x16xf32, #tpu.memory_space<hbm>>) dst(%arg5 : memref<80x16xf32, #tpu.memory_space<vmem>>)
      tpu.yield
    }) : () -> ()
    %get3A = arith.constant 0 : i32
    %get3A_0 = arith.index_cast %get3A : i32 to index
    %get3A_1 = arith.constant 0 : index
    %get3A_2 = tpu.vector_load %arg5[%get3A_0, %get3A_1] {strides = array<i32>} : memref<80x16xf32, #tpu.memory_space<vmem>>, vector<1x16xf32>,
    %get3A_3 = vector.shape_cast %get3A_2 : vector<1x16xf32> to vector<16xf32>
    %get3A_4 = arith.constant 1 : i32
    %get3A_5 = arith.index_cast %get3A_4 : i32 to index
    %get3A_6 = arith.constant 0 : index
    %get3A_7 = tpu.vector_load %arg5[%get3A_5, %get3A_6] {strides = array<i32>} : memref<80x16xf32, #tpu.memory_space<vmem>>, vector<1x16xf32>,
    %get3A_8 = vector.shape_cast %get3A_7 : vector<1x16xf32> to vector<16xf32>
    %get3A_9 = arith.constant 2 : i32
    %get3A_10 = arith.index_cast %get3A_9 : i32 to index
    %get3A_11 = arith.constant 0 : index
    %get3A_12 = tpu.vector_load %arg5[%get3A_10, %get3A_11] {strides = array<i32>} : memref<80x16xf32, #tpu.memory_space<vmem>>, vector<1x16xf32>,
    %get3A_13 = vector.shape_cast %get3A_12 : vector<1x16xf32> to vector<16xf32>
    %get3A_14 = arith.constant 3 : i32
    %get3A_15 = arith.index_cast %get3A_14 : i32 to index
    %get3A_16 = arith.constant 0 : index
    %get3A_17 = tpu.vector_load %arg5[%get3A_15, %get3A_16] {strides = array<i32>} : memref<80x16xf32, #tpu.memory_space<vmem>>, vector<1x16xf32>,
    %get3A_18 = vector.shape_cast %get3A_17 : vector<1x16xf32> to vector<16xf32>
    %get3A_19 = arith.constant 4 : i32
    %get3A_20 = arith.index_cast %get3A_19 : i32 to index
    %get3A_21 = arith.constant 0 : index
    %get3A_22 = tpu.vector_load %arg5[%get3A_20, %get3A_21] {strides = array<i32>} : memref<80x16xf32, #tpu.memory_space<vmem>>, vector<1x16xf32>,
    %get3A_23 = vector.shape_cast %get3A_22 : vector<1x16xf32> to vector<16xf32>
    %get3A_24 = arith.constant 5 : i32
    %get3A_25 = arith.index_cast %get3A_24 : i32 to index
    %get3A_26 = arith.constant 0 : index
    %get3A_27 = tpu.vector_load %arg5[%get3A_25, %get3A_26] {strides = array<i32>} : memref<80x16xf32, #tpu.memory_space<vmem>>, vector<1x16xf32>,
    %get3A_28 = vector.shape_cast %get3A_27 : vector<1x16xf32> to vector<16xf32>
    %get3A_29 = arith.constant 6 : i32
    %get3A_30 = arith.index_cast %get3A_29 : i32 to index
    %get3A_31 = arith.constant 0 : index
    %get3A_32 = tpu.vector_load %arg5[%get3A_30, %get3A_31] {strides = array<i32>} : memref<80x16xf32, #tpu.memory_space<vmem>>, vector<1x16xf32>,
    %get3A_33 = vector.shape_cast %get3A_32 : vector<1x16xf32> to vector<16xf32>
    %get3A_34 = arith.constant 7 : i32
    %get3A_35 = arith.index_cast %get3A_34 : i32 to index
    %get3A_36 = arith.constant 0 : index
    %get3A_37 = tpu.vector_load %arg5[%get3A_35, %get3A_36] {strides = array<i32>} : memref<80x16xf32, #tpu.memory_space<vmem>>, vector<1x16xf32>,
    %get3A_38 = vector.shape_cast %get3A_37 : vector<1x16xf32> to vector<16xf32>
    %get3A_39 = arith.constant 8 : i32
    %get3A_40 = arith.index_cast %get3A_39 : i32 to index
    %get3A_41 = arith.constant 0 : index
    %get3A_42 = tpu.vector_load %arg5[%get3A_40, %get3A_41] {strides = array<i32>} : memref<80x16xf32, #tpu.memory_space<vmem>>, vector<1x16xf32>,
    %get3A_43 = vector.shape_cast %get3A_42 : vector<1x16xf32> to vector<16xf32>
    %get3A_44 = arith.constant 9 : i32
    %get3A_45 = arith.index_cast %get3A_44 : i32 to index
    %get3A_46 = arith.constant 0 : index
    %get3A_47 = tpu.vector_load %arg5[%get3A_45, %get3A_46] {strides = array<i32>} : memref<80x16xf32, #tpu.memory_space<vmem>>, vector<1x16xf32>,
    %get3A_48 = vector.shape_cast %get3A_47 : vector<1x16xf32> to vector<16xf32>
    %get3A_49 = arith.constant 10 : i32
    %get3A_50 = arith.index_cast %get3A_49 : i32 to index
    %get3A_51 = arith.constant 0 : index
    %get3A_52 = tpu.vector_load %arg5[%get3A_50, %get3A_51] {strides = array<i32>} : memref<80x16xf32, #tpu.memory_space<vmem>>, vector<1x16xf32>,
    %get3A_53 = vector.shape_cast %get3A_52 : vector<1x16xf32> to vector<16xf32>
    %get3A_54 = arith.constant 11 : i32
    %get3A_55 = arith.index_cast %get3A_54 : i32 to index
    %get3A_56 = arith.constant 0 : index
    %get3A_57 = tpu.vector_load %arg5[%get3A_55, %get3A_56] {strides = array<i32>} : memref<80x16xf32, #tpu.memory_space<vmem>>, vector<1x16xf32>,
    %get3A_58 = vector.shape_cast %get3A_57 : vector<1x16xf32> to vector<16xf32>
    %get3A_59 = arith.constant 12 : i32
    %get3A_60 = arith.index_cast %get3A_59 : i32 to index
    %get3A_61 = arith.constant 0 : index
    %get3A_62 = tpu.vector_load %arg5[%get3A_60, %get3A_61] {strides = array<i32>} : memref<80x16xf32, #tpu.memory_space<vmem>>, vector<1x16xf32>,
    %get3A_63 = vector.shape_cast %get3A_62 : vector<1x16xf32> to vector<16xf32>
    %get3A_64 = arith.constant 13 : i32
    %get3A_65 = arith.index_cast %get3A_64 : i32 to index
    %get3A_66 = arith.constant 0 : index
    %get3A_67 = tpu.vector_load %arg5[%get3A_65, %get3A_66] {strides = array<i32>} : memref<80x16xf32, #tpu.memory_space<vmem>>, vector<1x16xf32>,
    %get3A_68 = vector.shape_cast %get3A_67 : vector<1x16xf32> to vector<16xf32>
    %get3A_69 = arith.constant 14 : i32
    %get3A_70 = arith.index_cast %get3A_69 : i32 to index
    %get3A_71 = arith.constant 0 : index
    %get3A_72 = tpu.vector_load %arg5[%get3A_70, %get3A_71] {strides = array<i32>} : memref<80x16xf32, #tpu.memory_space<vmem>>, vector<1x16xf32>,
    %get3A_73 = vector.shape_cast %get3A_72 : vector<1x16xf32> to vector<16xf32>
    %get3A_74 = arith.constant 15 : i32
    %get3A_75 = arith.index_cast %get3A_74 : i32 to index
    %get3A_76 = arith.constant 0 : index
    %get3A_77 = tpu.vector_load %arg5[%get3A_75, %get3A_76] {strides = array<i32>} : memref<80x16xf32, #tpu.memory_space<vmem>>, vector<1x16xf32>,
    %get3A_78 = vector.shape_cast %get3A_77 : vector<1x16xf32> to vector<16xf32>
    %get3A_79 = arith.constant 16 : i32
    %get3A_80 = arith.index_cast %get3A_79 : i32 to index
    %get3A_81 = arith.constant 0 : index
    %get3A_82 = tpu.vector_load %arg5[%get3A_80, %get3A_81] {strides = array<i32>} : memref<80x16xf32, #tpu.memory_space<vmem>>, vector<1x16xf32>,
    %get3A_83 = vector.shape_cast %get3A_82 : vector<1x16xf32> to vector<16xf32>
    %get3A_84 = arith.constant 17 : i32
    %get3A_85 = arith.index_cast %get3A_84 : i32 to index
    %get3A_86 = arith.constant 0 : index
    %get3A_87 = tpu.vector_load %arg5[%get3A_85, %get3A_86] {strides = array<i32>} : memref<80x16xf32, #tpu.memory_space<vmem>>, vector<1x16xf32>,
    %get3A_88 = vector.shape_cast %get3A_87 : vector<1x16xf32> to vector<16xf32>
    %get3A_89 = arith.constant 18 : i32
    %get3A_90 = arith.index_cast %get3A_89 : i32 to index
    %get3A_91 = arith.constant 0 : index
    %get3A_92 = tpu.vector_load %arg5[%get3A_90, %get3A_91] {strides = array<i32>} : memref<80x16xf32, #tpu.memory_space<vmem>>, vector<1x16xf32>,
    %get3A_93 = vector.shape_cast %get3A_92 : vector<1x16xf32> to vector<16xf32>
    %get3A_94 = arith.constant 19 : i32
    %get3A_95 = arith.index_cast %get3A_94 : i32 to index
    %get3A_96 = arith.constant 0 : index
    %get3A_97 = tpu.vector_load %arg5[%get3A_95, %get3A_96] {strides = array<i32>} : memref<80x16xf32, #tpu.memory_space<vmem>>, vector<1x16xf32>,
    %get3A_98 = vector.shape_cast %get3A_97 : vector<1x16xf32> to vector<16xf32>
    %get3A_99 = arith.constant 20 : i32
    %get3A_100 = arith.index_cast %get3A_99 : i32 to index
    %get3A_101 = arith.constant 0 : index
    %get3A_102 = tpu.vector_load %arg5[%get3A_100, %get3A_101] {strides = array<i32>} : memref<80x16xf32, #tpu.memory_space<vmem>>, vector<1x16xf32>,
    %get3A_103 = vector.shape_cast %get3A_102 : vector<1x16xf32> to vector<16xf32>
    %get3A_104 = arith.constant 21 : i32
    %get3A_105 = arith.index_cast %get3A_104 : i32 to index
    %get3A_106 = arith.constant 0 : index
    %get3A_107 = tpu.vector_load %arg5[%get3A_105, %get3A_106] {strides = array<i32>} : memref<80x16xf32, #tpu.memory_space<vmem>>, vector<1x16xf32>,
    %get3A_108 = vector.shape_cast %get3A_107 : vector<1x16xf32> to vector<16xf32>
    %get3A_109 = arith.constant 22 : i32
    %get3A_110 = arith.index_cast %get3A_109 : i32 to index
    %get3A_111 = arith.constant 0 : index
    %get3A_112 = tpu.vector_load %arg5[%get3A_110, %get3A_111] {strides = array<i32>} : memref<80x16xf32, #tpu.memory_space<vmem>>, vector<1x16xf32>,
    %get3A_113 = vector.shape_cast %get3A_112 : vector<1x16xf32> to vector<16xf32>
    %get3A_114 = arith.constant 23 : i32
    %get3A_115 = arith.index_cast %get3A_114 : i32 to index
    %get3A_116 = arith.constant 0 : index
    %get3A_117 = tpu.vector_load %arg5[%get3A_115, %get3A_116] {strides = array<i32>} : memref<80x16xf32, #tpu.memory_space<vmem>>, vector<1x16xf32>,
    %get3A_118 = vector.shape_cast %get3A_117 : vector<1x16xf32> to vector<16xf32>
    %get3A_119 = arith.constant 24 : i32
    %get3A_120 = arith.index_cast %get3A_119 : i32 to index
    %get3A_121 = arith.constant 0 : index
    %get3A_122 = tpu.vector_load %arg5[%get3A_120, %get3A_121] {strides = array<i32>} : memref<80x16xf32, #tpu.memory_space<vmem>>, vector<1x16xf32>,
    %get3A_123 = vector.shape_cast %get3A_122 : vector<1x16xf32> to vector<16xf32>
    %get3A_124 = arith.constant 25 : i32
    %get3A_125 = arith.index_cast %get3A_124 : i32 to index
    %get3A_126 = arith.constant 0 : index
    %get3A_127 = tpu.vector_load %arg5[%get3A_125, %get3A_126] {strides = array<i32>} : memref<80x16xf32, #tpu.memory_space<vmem>>, vector<1x16xf32>,
    %get3A_128 = vector.shape_cast %get3A_127 : vector<1x16xf32> to vector<16xf32>
    %get3A_129 = arith.constant 26 : i32
    %get3A_130 = arith.index_cast %get3A_129 : i32 to index
    %get3A_131 = arith.constant 0 : index
    %get3A_132 = tpu.vector_load %arg5[%get3A_130, %get3A_131] {strides = array<i32>} : memref<80x16xf32, #tpu.memory_space<vmem>>, vector<1x16xf32>,
    %get3A_133 = vector.shape_cast %get3A_132 : vector<1x16xf32> to vector<16xf32>
    %get3A_134 = arith.constant 27 : i32
    %get3A_135 = arith.index_cast %get3A_134 : i32 to index
    %get3A_136 = arith.constant 0 : index
    %get3A_137 = tpu.vector_load %arg5[%get3A_135, %get3A_136] {strides = array<i32>} : memref<80x16xf32, #tpu.memory_space<vmem>>, vector<1x16xf32>,
    %get3A_138 = vector.shape_cast %get3A_137 : vector<1x16xf32> to vector<16xf32>
    %get3A_139 = arith.constant 28 : i32
    %get3A_140 = arith.index_cast %get3A_139 : i32 to index
    %get3A_141 = arith.constant 0 : index
    %get3A_142 = tpu.vector_load %arg5[%get3A_140, %get3A_141] {strides = array<i32>} : memref<80x16xf32, #tpu.memory_space<vmem>>, vector<1x16xf32>,
    %get3A_143 = vector.shape_cast %get3A_142 : vector<1x16xf32> to vector<16xf32>
    %get3A_144 = arith.constant 29 : i32
    %get3A_145 = arith.index_cast %get3A_144 : i32 to index
    %get3A_146 = arith.constant 0 : index
    %get3A_147 = tpu.vector_load %arg5[%get3A_145, %get3A_146] {strides = array<i32>} : memref<80x16xf32, #tpu.memory_space<vmem>>, vector<1x16xf32>,
    %get3A_148 = vector.shape_cast %get3A_147 : vector<1x16xf32> to vector<16xf32>
    %get3A_149 = arith.constant 30 : i32
    %get3A_150 = arith.index_cast %get3A_149 : i32 to index
    %get3A_151 = arith.constant 0 : index
    %get3A_152 = tpu.vector_load %arg5[%get3A_150, %get3A_151] {strides = array<i32>} : memref<80x16xf32, #tpu.memory_space<vmem>>, vector<1x16xf32>,
    %get3A_153 = vector.shape_cast %get3A_152 : vector<1x16xf32> to vector<16xf32>
    %get3A_154 = arith.constant 31 : i32
    %get3A_155 = arith.index_cast %get3A_154 : i32 to index
    %get3A_156 = arith.constant 0 : index
    %get3A_157 = tpu.vector_load %arg5[%get3A_155, %get3A_156] {strides = array<i32>} : memref<80x16xf32, #tpu.memory_space<vmem>>, vector<1x16xf32>,
    %get3A_158 = vector.shape_cast %get3A_157 : vector<1x16xf32> to vector<16xf32>
    %get3A_159 = arith.constant 32 : i32
    %get3A_160 = arith.index_cast %get3A_159 : i32 to index
    %get3A_161 = arith.constant 0 : index
    %get3A_162 = tpu.vector_load %arg5[%get3A_160, %get3A_161] {strides = array<i32>} : memref<80x16xf32, #tpu.memory_space<vmem>>, vector<1x16xf32>,
    %get3A_163 = vector.shape_cast %get3A_162 : vector<1x16xf32> to vector<16xf32>
    %get3A_164 = arith.constant 33 : i32
    %get3A_165 = arith.index_cast %get3A_164 : i32 to index
    %get3A_166 = arith.constant 0 : index
    %get3A_167 = tpu.vector_load %arg5[%get3A_165, %get3A_166] {strides = array<i32>} : memref<80x16xf32, #tpu.memory_space<vmem>>, vector<1x16xf32>,
    %get3A_168 = vector.shape_cast %get3A_167 : vector<1x16xf32> to vector<16xf32>
    %get3A_169 = arith.constant 34 : i32
    %get3A_170 = arith.index_cast %get3A_169 : i32 to index
    %get3A_171 = arith.constant 0 : index
    %get3A_172 = tpu.vector_load %arg5[%get3A_170, %get3A_171] {strides = array<i32>} : memref<80x16xf32, #tpu.memory_space<vmem>>, vector<1x16xf32>,
    %get3A_173 = vector.shape_cast %get3A_172 : vector<1x16xf32> to vector<16xf32>
    %get3A_174 = arith.constant 35 : i32
    %get3A_175 = arith.index_cast %get3A_174 : i32 to index
    %get3A_176 = arith.constant 0 : index
    %get3A_177 = tpu.vector_load %arg5[%get3A_175, %get3A_176] {strides = array<i32>} : memref<80x16xf32, #tpu.memory_space<vmem>>, vector<1x16xf32>,
    %get3A_178 = vector.shape_cast %get3A_177 : vector<1x16xf32> to vector<16xf32>
    %get3A_179 = arith.constant 36 : i32
    %get3A_180 = arith.index_cast %get3A_179 : i32 to index
    %get3A_181 = arith.constant 0 : index
    %get3A_182 = tpu.vector_load %arg5[%get3A_180, %get3A_181] {strides = array<i32>} : memref<80x16xf32, #tpu.memory_space<vmem>>, vector<1x16xf32>,
    %get3A_183 = vector.shape_cast %get3A_182 : vector<1x16xf32> to vector<16xf32>
    %get3A_184 = arith.constant 37 : i32
    %get3A_185 = arith.index_cast %get3A_184 : i32 to index
    %get3A_186 = arith.constant 0 : index
    %get3A_187 = tpu.vector_load %arg5[%get3A_185, %get3A_186] {strides = array<i32>} : memref<80x16xf32, #tpu.memory_space<vmem>>, vector<1x16xf32>,
    %get3A_188 = vector.shape_cast %get3A_187 : vector<1x16xf32> to vector<16xf32>
    %get3A_189 = arith.constant 38 : i32
    %get3A_190 = arith.index_cast %get3A_189 : i32 to index
    %get3A_191 = arith.constant 0 : index
    %get3A_192 = tpu.vector_load %arg5[%get3A_190, %get3A_191] {strides = array<i32>} : memref<80x16xf32, #tpu.memory_space<vmem>>, vector<1x16xf32>,
    %get3A_193 = vector.shape_cast %get3A_192 : vector<1x16xf32> to vector<16xf32>
    %get3A_194 = arith.constant 39 : i32
    %get3A_195 = arith.index_cast %get3A_194 : i32 to index
    %get3A_196 = arith.constant 0 : index
    %get3A_197 = tpu.vector_load %arg5[%get3A_195, %get3A_196] {strides = array<i32>} : memref<80x16xf32, #tpu.memory_space<vmem>>, vector<1x16xf32>,
    %get3A_198 = vector.shape_cast %get3A_197 : vector<1x16xf32> to vector<16xf32>
    %get3A_199 = arith.constant 40 : i32
    %get3A_200 = arith.index_cast %get3A_199 : i32 to index
    %get3A_201 = arith.constant 0 : index
    %get3A_202 = tpu.vector_load %arg5[%get3A_200, %get3A_201] {strides = array<i32>} : memref<80x16xf32, #tpu.memory_space<vmem>>, vector<1x16xf32>,
    %get3A_203 = vector.shape_cast %get3A_202 : vector<1x16xf32> to vector<16xf32>
    %get3A_204 = arith.constant 41 : i32
    %get3A_205 = arith.index_cast %get3A_204 : i32 to index
    %get3A_206 = arith.constant 0 : index
    %get3A_207 = tpu.vector_load %arg5[%get3A_205, %get3A_206] {strides = array<i32>} : memref<80x16xf32, #tpu.memory_space<vmem>>, vector<1x16xf32>,
    %get3A_208 = vector.shape_cast %get3A_207 : vector<1x16xf32> to vector<16xf32>
    %get3A_209 = arith.constant 42 : i32
    %get3A_210 = arith.index_cast %get3A_209 : i32 to index
    %get3A_211 = arith.constant 0 : index
    %get3A_212 = tpu.vector_load %arg5[%get3A_210, %get3A_211] {strides = array<i32>} : memref<80x16xf32, #tpu.memory_space<vmem>>, vector<1x16xf32>,
    %get3A_213 = vector.shape_cast %get3A_212 : vector<1x16xf32> to vector<16xf32>
    %get3A_214 = arith.constant 43 : i32
    %get3A_215 = arith.index_cast %get3A_214 : i32 to index
    %get3A_216 = arith.constant 0 : index
    %get3A_217 = tpu.vector_load %arg5[%get3A_215, %get3A_216] {strides = array<i32>} : memref<80x16xf32, #tpu.memory_space<vmem>>, vector<1x16xf32>,
    %get3A_218 = vector.shape_cast %get3A_217 : vector<1x16xf32> to vector<16xf32>
    %get3A_219 = arith.constant 44 : i32
    %get3A_220 = arith.index_cast %get3A_219 : i32 to index
    %get3A_221 = arith.constant 0 : index
    %get3A_222 = tpu.vector_load %arg5[%get3A_220, %get3A_221] {strides = array<i32>} : memref<80x16xf32, #tpu.memory_space<vmem>>, vector<1x16xf32>,
    %get3A_223 = vector.shape_cast %get3A_222 : vector<1x16xf32> to vector<16xf32>
    %get3A_224 = arith.constant 45 : i32
    %get3A_225 = arith.index_cast %get3A_224 : i32 to index
    %get3A_226 = arith.constant 0 : index
    %get3A_227 = tpu.vector_load %arg5[%get3A_225, %get3A_226] {strides = array<i32>} : memref<80x16xf32, #tpu.memory_space<vmem>>, vector<1x16xf32>,
    %get3A_228 = vector.shape_cast %get3A_227 : vector<1x16xf32> to vector<16xf32>
    %get3A_229 = arith.constant 46 : i32
    %get3A_230 = arith.index_cast %get3A_229 : i32 to index
    %get3A_231 = arith.constant 0 : index
    %get3A_232 = tpu.vector_load %arg5[%get3A_230, %get3A_231] {strides = array<i32>} : memref<80x16xf32, #tpu.memory_space<vmem>>, vector<1x16xf32>,
    %get3A_233 = vector.shape_cast %get3A_232 : vector<1x16xf32> to vector<16xf32>
    %get3A_234 = arith.constant 47 : i32
    %get3A_235 = arith.index_cast %get3A_234 : i32 to index
    %get3A_236 = arith.constant 0 : index
    %get3A_237 = tpu.vector_load %arg5[%get3A_235, %get3A_236] {strides = array<i32>} : memref<80x16xf32, #tpu.memory_space<vmem>>, vector<1x16xf32>,
    %get3A_238 = vector.shape_cast %get3A_237 : vector<1x16xf32> to vector<16xf32>
    %get3A_239 = arith.constant 48 : i32
    %get3A_240 = arith.index_cast %get3A_239 : i32 to index
    %get3A_241 = arith.constant 0 : index
    %get3A_242 = tpu.vector_load %arg5[%get3A_240, %get3A_241] {strides = array<i32>} : memref<80x16xf32, #tpu.memory_space<vmem>>, vector<1x16xf32>,
    %get3A_243 = vector.shape_cast %get3A_242 : vector<1x16xf32> to vector<16xf32>
    %get3A_244 = arith.constant 49 : i32
    %get3A_245 = arith.index_cast %get3A_244 : i32 to index
    %get3A_246 = arith.constant 0 : index
    %get3A_247 = tpu.vector_load %arg5[%get3A_245, %get3A_246] {strides = array<i32>} : memref<80x16xf32, #tpu.memory_space<vmem>>, vector<1x16xf32>,
    %get3A_248 = vector.shape_cast %get3A_247 : vector<1x16xf32> to vector<16xf32>
    %get3A_249 = arith.constant 50 : i32
    %get3A_250 = arith.index_cast %get3A_249 : i32 to index
    %get3A_251 = arith.constant 0 : index
    %get3A_252 = tpu.vector_load %arg5[%get3A_250, %get3A_251] {strides = array<i32>} : memref<80x16xf32, #tpu.memory_space<vmem>>, vector<1x16xf32>,
    %get3A_253 = vector.shape_cast %get3A_252 : vector<1x16xf32> to vector<16xf32>
    %get3A_254 = arith.constant 51 : i32
    %get3A_255 = arith.index_cast %get3A_254 : i32 to index
    %get3A_256 = arith.constant 0 : index
    %get3A_257 = tpu.vector_load %arg5[%get3A_255, %get3A_256] {strides = array<i32>} : memref<80x16xf32, #tpu.memory_space<vmem>>, vector<1x16xf32>,
    %get3A_258 = vector.shape_cast %get3A_257 : vector<1x16xf32> to vector<16xf32>
    %get3A_259 = arith.constant 52 : i32
    %get3A_260 = arith.index_cast %get3A_259 : i32 to index
    %get3A_261 = arith.constant 0 : index
    %get3A_262 = tpu.vector_load %arg5[%get3A_260, %get3A_261] {strides = array<i32>} : memref<80x16xf32, #tpu.memory_space<vmem>>, vector<1x16xf32>,
    %get3A_263 = vector.shape_cast %get3A_262 : vector<1x16xf32> to vector<16xf32>
    %get3A_264 = arith.constant 53 : i32
    %get3A_265 = arith.index_cast %get3A_264 : i32 to index
    %get3A_266 = arith.constant 0 : index
    %get3A_267 = tpu.vector_load %arg5[%get3A_265, %get3A_266] {strides = array<i32>} : memref<80x16xf32, #tpu.memory_space<vmem>>, vector<1x16xf32>,
    %get3A_268 = vector.shape_cast %get3A_267 : vector<1x16xf32> to vector<16xf32>
    %get3A_269 = arith.constant 54 : i32
    %get3A_270 = arith.index_cast %get3A_269 : i32 to index
    %get3A_271 = arith.constant 0 : index
    %get3A_272 = tpu.vector_load %arg5[%get3A_270, %get3A_271] {strides = array<i32>} : memref<80x16xf32, #tpu.memory_space<vmem>>, vector<1x16xf32>,
    %get3A_273 = vector.shape_cast %get3A_272 : vector<1x16xf32> to vector<16xf32>
    %get3A_274 = arith.constant 55 : i32
    %get3A_275 = arith.index_cast %get3A_274 : i32 to index
    %get3A_276 = arith.constant 0 : index
    %get3A_277 = tpu.vector_load %arg5[%get3A_275, %get3A_276] {strides = array<i32>} : memref<80x16xf32, #tpu.memory_space<vmem>>, vector<1x16xf32>,
    %get3A_278 = vector.shape_cast %get3A_277 : vector<1x16xf32> to vector<16xf32>
    %get3A_279 = arith.constant 56 : i32
    %get3A_280 = arith.index_cast %get3A_279 : i32 to index
    %get3A_281 = arith.constant 0 : index
    %get3A_282 = tpu.vector_load %arg5[%get3A_280, %get3A_281] {strides = array<i32>} : memref<80x16xf32, #tpu.memory_space<vmem>>, vector<1x16xf32>,
    %get3A_283 = vector.shape_cast %get3A_282 : vector<1x16xf32> to vector<16xf32>
    %get3A_284 = arith.constant 57 : i32
    %get3A_285 = arith.index_cast %get3A_284 : i32 to index
    %get3A_286 = arith.constant 0 : index
    %get3A_287 = tpu.vector_load %arg5[%get3A_285, %get3A_286] {strides = array<i32>} : memref<80x16xf32, #tpu.memory_space<vmem>>, vector<1x16xf32>,
    %get3A_288 = vector.shape_cast %get3A_287 : vector<1x16xf32> to vector<16xf32>
    %get3A_289 = arith.constant 58 : i32
    %get3A_290 = arith.index_cast %get3A_289 : i32 to index
    %get3A_291 = arith.constant 0 : index
    %get3A_292 = tpu.vector_load %arg5[%get3A_290, %get3A_291] {strides = array<i32>} : memref<80x16xf32, #tpu.memory_space<vmem>>, vector<1x16xf32>,
    %get3A_293 = vector.shape_cast %get3A_292 : vector<1x16xf32> to vector<16xf32>
    %get3A_294 = arith.constant 59 : i32
    %get3A_295 = arith.index_cast %get3A_294 : i32 to index
    %get3A_296 = arith.constant 0 : index
    %get3A_297 = tpu.vector_load %arg5[%get3A_295, %get3A_296] {strides = array<i32>} : memref<80x16xf32, #tpu.memory_space<vmem>>, vector<1x16xf32>,
    %get3A_298 = vector.shape_cast %get3A_297 : vector<1x16xf32> to vector<16xf32>
    %get3A_299 = arith.constant 60 : i32
    %get3A_300 = arith.index_cast %get3A_299 : i32 to index
    %get3A_301 = arith.constant 0 : index
    %get3A_302 = tpu.vector_load %arg5[%get3A_300, %get3A_301] {strides = array<i32>} : memref<80x16xf32, #tpu.memory_space<vmem>>, vector<1x16xf32>,
    %get3A_303 = vector.shape_cast %get3A_302 : vector<1x16xf32> to vector<16xf32>
    %get3A_304 = arith.constant 61 : i32
    %get3A_305 = arith.index_cast %get3A_304 : i32 to index
    %get3A_306 = arith.constant 0 : index
    %get3A_307 = tpu.vector_load %arg5[%get3A_305, %get3A_306] {strides = array<i32>} : memref<80x16xf32, #tpu.memory_space<vmem>>, vector<1x16xf32>,
    %get3A_308 = vector.shape_cast %get3A_307 : vector<1x16xf32> to vector<16xf32>
    %get3A_309 = arith.constant 62 : i32
    %get3A_310 = arith.index_cast %get3A_309 : i32 to index
    %get3A_311 = arith.constant 0 : index
    %get3A_312 = tpu.vector_load %arg5[%get3A_310, %get3A_311] {strides = array<i32>} : memref<80x16xf32, #tpu.memory_space<vmem>>, vector<1x16xf32>,
    %get3A_313 = vector.shape_cast %get3A_312 : vector<1x16xf32> to vector<16xf32>
    %get3A_314 = arith.constant 63 : i32
    %get3A_315 = arith.index_cast %get3A_314 : i32 to index
    %get3A_316 = arith.constant 0 : index
    %get3A_317 = tpu.vector_load %arg5[%get3A_315, %get3A_316] {strides = array<i32>} : memref<80x16xf32, #tpu.memory_space<vmem>>, vector<1x16xf32>,
    %get3A_318 = vector.shape_cast %get3A_317 : vector<1x16xf32> to vector<16xf32>
    %get3A_319 = arith.constant 64 : i32
    %get3A_320 = arith.index_cast %get3A_319 : i32 to index
    %get3A_321 = arith.constant 0 : index
    %get3A_322 = tpu.vector_load %arg5[%get3A_320, %get3A_321] {strides = array<i32>} : memref<80x16xf32, #tpu.memory_space<vmem>>, vector<1x16xf32>,
    %get3A_323 = vector.shape_cast %get3A_322 : vector<1x16xf32> to vector<16xf32>
    %get3A_324 = arith.constant 65 : i32
    %get3A_325 = arith.index_cast %get3A_324 : i32 to index
    %get3A_326 = arith.constant 0 : index
    %get3A_327 = tpu.vector_load %arg5[%get3A_325, %get3A_326] {strides = array<i32>} : memref<80x16xf32, #tpu.memory_space<vmem>>, vector<1x16xf32>,
    %get3A_328 = vector.shape_cast %get3A_327 : vector<1x16xf32> to vector<16xf32>
    %get3A_329 = arith.constant 66 : i32
    %get3A_330 = arith.index_cast %get3A_329 : i32 to index
    %get3A_331 = arith.constant 0 : index
    %get3A_332 = tpu.vector_load %arg5[%get3A_330, %get3A_331] {strides = array<i32>} : memref<80x16xf32, #tpu.memory_space<vmem>>, vector<1x16xf32>,
    %get3A_333 = vector.shape_cast %get3A_332 : vector<1x16xf32> to vector<16xf32>
    %get3A_334 = arith.constant 67 : i32
    %get3A_335 = arith.index_cast %get3A_334 : i32 to index
    %get3A_336 = arith.constant 0 : index
    %get3A_337 = tpu.vector_load %arg5[%get3A_335, %get3A_336] {strides = array<i32>} : memref<80x16xf32, #tpu.memory_space<vmem>>, vector<1x16xf32>,
    %get3A_338 = vector.shape_cast %get3A_337 : vector<1x16xf32> to vector<16xf32>
    %get3A_339 = arith.constant 68 : i32
    %get3A_340 = arith.index_cast %get3A_339 : i32 to index
    %get3A_341 = arith.constant 0 : index
    %get3A_342 = tpu.vector_load %arg5[%get3A_340, %get3A_341] {strides = array<i32>} : memref<80x16xf32, #tpu.memory_space<vmem>>, vector<1x16xf32>,
    %get3A_343 = vector.shape_cast %get3A_342 : vector<1x16xf32> to vector<16xf32>
    %get3A_344 = arith.constant 69 : i32
    %get3A_345 = arith.index_cast %get3A_344 : i32 to index
    %get3A_346 = arith.constant 0 : index
    %get3A_347 = tpu.vector_load %arg5[%get3A_345, %get3A_346] {strides = array<i32>} : memref<80x16xf32, #tpu.memory_space<vmem>>, vector<1x16xf32>,
    %get3A_348 = vector.shape_cast %get3A_347 : vector<1x16xf32> to vector<16xf32>
    %get3A_349 = arith.constant 70 : i32
    %get3A_350 = arith.index_cast %get3A_349 : i32 to index
    %get3A_351 = arith.constant 0 : index
    %get3A_352 = tpu.vector_load %arg5[%get3A_350, %get3A_351] {strides = array<i32>} : memref<80x16xf32, #tpu.memory_space<vmem>>, vector<1x16xf32>,
    %get3A_353 = vector.shape_cast %get3A_352 : vector<1x16xf32> to vector<16xf32>
    %get3A_354 = arith.constant 71 : i32
    %get3A_355 = arith.index_cast %get3A_354 : i32 to index
    %get3A_356 = arith.constant 0 : index
    %get3A_357 = tpu.vector_load %arg5[%get3A_355, %get3A_356] {strides = array<i32>} : memref<80x16xf32, #tpu.memory_space<vmem>>, vector<1x16xf32>,
    %get3A_358 = vector.shape_cast %get3A_357 : vector<1x16xf32> to vector<16xf32>
    %get3A_359 = arith.constant 72 : i32
    %get3A_360 = arith.index_cast %get3A_359 : i32 to index
    %get3A_361 = arith.constant 0 : index
    %get3A_362 = tpu.vector_load %arg5[%get3A_360, %get3A_361] {strides = array<i32>} : memref<80x16xf32, #tpu.memory_space<vmem>>, vector<1x16xf32>,
    %get3A_363 = vector.shape_cast %get3A_362 : vector<1x16xf32> to vector<16xf32>
    %get3A_364 = arith.constant 73 : i32
    %get3A_365 = arith.index_cast %get3A_364 : i32 to index
    %get3A_366 = arith.constant 0 : index
    %get3A_367 = tpu.vector_load %arg5[%get3A_365, %get3A_366] {strides = array<i32>} : memref<80x16xf32, #tpu.memory_space<vmem>>, vector<1x16xf32>,
    %get3A_368 = vector.shape_cast %get3A_367 : vector<1x16xf32> to vector<16xf32>
    %get3A_369 = arith.constant 74 : i32
    %get3A_370 = arith.index_cast %get3A_369 : i32 to index
    %get3A_371 = arith.constant 0 : index
    %get3A_372 = tpu.vector_load %arg5[%get3A_370, %get3A_371] {strides = array<i32>} : memref<80x16xf32, #tpu.memory_space<vmem>>, vector<1x16xf32>,
    %get3A_373 = vector.shape_cast %get3A_372 : vector<1x16xf32> to vector<16xf32>
    %get3A_374 = arith.constant 75 : i32
    %get3A_375 = arith.index_cast %get3A_374 : i32 to index
    %get3A_376 = arith.constant 0 : index
    %get3A_377 = tpu.vector_load %arg5[%get3A_375, %get3A_376] {strides = array<i32>} : memref<80x16xf32, #tpu.memory_space<vmem>>, vector<1x16xf32>,
    %get3A_378 = vector.shape_cast %get3A_377 : vector<1x16xf32> to vector<16xf32>
    %get3A_379 = arith.constant 76 : i32
    %get3A_380 = arith.index_cast %get3A_379 : i32 to index
    %get3A_381 = arith.constant 0 : index
    %get3A_382 = tpu.vector_load %arg5[%get3A_380, %get3A_381] {strides = array<i32>} : memref<80x16xf32, #tpu.memory_space<vmem>>, vector<1x16xf32>,
    %get3A_383 = vector.shape_cast %get3A_382 : vector<1x16xf32> to vector<16xf32>
    %get3A_384 = arith.constant 77 : i32
    %get3A_385 = arith.index_cast %get3A_384 : i32 to index
    %get3A_386 = arith.constant 0 : index
    %get3A_387 = tpu.vector_load %arg5[%get3A_385, %get3A_386] {strides = array<i32>} : memref<80x16xf32, #tpu.memory_space<vmem>>, vector<1x16xf32>,
    %get3A_388 = vector.shape_cast %get3A_387 : vector<1x16xf32> to vector<16xf32>
    %scan3A = arith.constant 0 : i32
    %scan3A_389 = arith.constant 0 : i32
    %scan3A_390 = arith.constant 7 : i32
    %scan3A_391 = arith.addi %scan3A_389, %scan3A_390 : i32
    %scan3A_392 = arith.constant 1 : i32
    scf.for %scan3A_394 = %scan3A_389 to %scan3A_391 step %scan3A_392  : i32 {
      %mul3A = arith.constant 4096 : i32
      %mul3A_395 = arith.muli %scan3A_394, %mul3A : i32
      %mul3A_396 = arith.constant 3 : i32
      %mul3A_397 = arith.muli %arg1, %mul3A_396 : i32
      %add3A = arith.constant 0 : i32
      %add3A_398 = arith.addi %mul3A_397, %add3A : i32
      %mul3A_399 = arith.constant 512 : i32
      %mul3A_400 = arith.muli %add3A_398, %mul3A_399 : i32
      %add3A_401 = arith.constant 400 : i32
      %add3A_402 = arith.addi %mul3A_400, %add3A_401 : i32
      %mul3A_403 = arith.constant 512 : i32
      %mul3A_404 = arith.muli %add3A_402, %mul3A_403 : i32
      %mul3A_405 = arith.constant 28672 : i32
      %mul3A_406 = arith.muli %arg0, %mul3A_405 : i32
      %add3A_407 = arith.addi %mul3A_404, %mul3A_406 : i32
      %add3A_408 = arith.addi %add3A_407, %mul3A_395 : i32
      "tpu.region"() ({
        %run_scoped3A = tpu.sem_alloc : memref<!tpu.dma_semaphore, #tpu.memory_space<semaphore_mem>>
        %dma_start3A = tpu.memref_slice %arg2[%add3A_408] : memref<12582912xf32, #tpu.memory_space<hbm>> -> memref<4096xf32, #tpu.memory_space<hbm>>
        %dma_start3A_479 = tpu.memref_slice %arg2[%add3A_408] : memref<12582912xf32, #tpu.memory_space<hbm>> -> memref<4096xf32, #tpu.memory_space<hbm>>
        tpu.enqueue_dma source(%dma_start3A_479 : memref<4096xf32, #tpu.memory_space<hbm>>) target(%arg6 : memref<4096xf32, #tpu.memory_space<vmem>>) target_semaphore(%run_scoped3A : memref<!tpu.dma_semaphore, #tpu.memory_space<semaphore_mem>>)
        %dma_wait3A = tpu.memref_slice %arg2[%add3A_408] : memref<12582912xf32, #tpu.memory_space<hbm>> -> memref<4096xf32, #tpu.memory_space<hbm>>
        %dma_wait3A_480 = tpu.memref_slice %arg2[%add3A_408] : memref<12582912xf32, #tpu.memory_space<hbm>> -> memref<4096xf32, #tpu.memory_space<hbm>>
        tpu.wait_dma2 semaphore(%run_scoped3A : memref<!tpu.dma_semaphore, #tpu.memory_space<semaphore_mem>>) src(%dma_wait3A_480 : memref<4096xf32, #tpu.memory_space<hbm>>) dst(%arg6 : memref<4096xf32, #tpu.memory_space<vmem>>)
        tpu.yield
      }) : () -> ()
      %mul3A_409 = arith.constant 3 : i32
      %mul3A_410 = arith.muli %arg1, %mul3A_409 : i32
      %add3A_411 = arith.constant 1 : i32
      %add3A_412 = arith.addi %mul3A_410, %add3A_411 : i32
      %mul3A_413 = arith.constant 512 : i32
      %mul3A_414 = arith.muli %add3A_412, %mul3A_413 : i32
      %add3A_415 = arith.constant 400 : i32
      %add3A_416 = arith.addi %mul3A_414, %add3A_415 : i32
      %mul3A_417 = arith.constant 512 : i32
      %mul3A_418 = arith.muli %add3A_416, %mul3A_417 : i32
      %mul3A_419 = arith.constant 28672 : i32
      %mul3A_420 = arith.muli %arg0, %mul3A_419 : i32
      %add3A_421 = arith.addi %mul3A_418, %mul3A_420 : i32
      %add3A_422 = arith.addi %add3A_421, %mul3A_395 : i32
      "tpu.region"() ({
        %run_scoped3A = tpu.sem_alloc : memref<!tpu.dma_semaphore, #tpu.memory_space<semaphore_mem>>
        %dma_start3A = tpu.memref_slice %arg2[%add3A_422] : memref<12582912xf32, #tpu.memory_space<hbm>> -> memref<4096xf32, #tpu.memory_space<hbm>>
        %dma_start3A_479 = tpu.memref_slice %arg2[%add3A_422] : memref<12582912xf32, #tpu.memory_space<hbm>> -> memref<4096xf32, #tpu.memory_space<hbm>>
        tpu.enqueue_dma source(%dma_start3A_479 : memref<4096xf32, #tpu.memory_space<hbm>>) target(%arg7 : memref<4096xf32, #tpu.memory_space<vmem>>) target_semaphore(%run_scoped3A : memref<!tpu.dma_semaphore, #tpu.memory_space<semaphore_mem>>)
        %dma_wait3A = tpu.memref_slice %arg2[%add3A_422] : memref<12582912xf32, #tpu.memory_space<hbm>> -> memref<4096xf32, #tpu.memory_space<hbm>>
        %dma_wait3A_480 = tpu.memref_slice %arg2[%add3A_422] : memref<12582912xf32, #tpu.memory_space<hbm>> -> memref<4096xf32, #tpu.memory_space<hbm>>
        tpu.wait_dma2 semaphore(%run_scoped3A : memref<!tpu.dma_semaphore, #tpu.memory_space<semaphore_mem>>) src(%dma_wait3A_480 : memref<4096xf32, #tpu.memory_space<hbm>>) dst(%arg7 : memref<4096xf32, #tpu.memory_space<vmem>>)
        tpu.yield
      }) : () -> ()
      %mul3A_423 = arith.constant 3 : i32
      %mul3A_424 = arith.muli %arg1, %mul3A_423 : i32
      %add3A_425 = arith.constant 2 : i32
      %add3A_426 = arith.addi %mul3A_424, %add3A_425 : i32
      %mul3A_427 = arith.constant 512 : i32
      %mul3A_428 = arith.muli %add3A_426, %mul3A_427 : i32
      %add3A_429 = arith.constant 400 : i32
      %add3A_430 = arith.addi %mul3A_428, %add3A_429 : i32
      %mul3A_431 = arith.constant 512 : i32
      %mul3A_432 = arith.muli %add3A_430, %mul3A_431 : i32
      %mul3A_433 = arith.constant 28672 : i32
      %mul3A_434 = arith.muli %arg0, %mul3A_433 : i32
      %add3A_435 = arith.addi %mul3A_432, %mul3A_434 : i32
      %add3A_436 = arith.addi %add3A_435, %mul3A_395 : i32
      "tpu.region"() ({
        %run_scoped3A = tpu.sem_alloc : memref<!tpu.dma_semaphore, #tpu.memory_space<semaphore_mem>>
        %dma_start3A = tpu.memref_slice %arg2[%add3A_436] : memref<12582912xf32, #tpu.memory_space<hbm>> -> memref<4096xf32, #tpu.memory_space<hbm>>
        %dma_start3A_479 = tpu.memref_slice %arg2[%add3A_436] : memref<12582912xf32, #tpu.memory_space<hbm>> -> memref<4096xf32, #tpu.memory_space<hbm>>
        tpu.enqueue_dma source(%dma_start3A_479 : memref<4096xf32, #tpu.memory_space<hbm>>) target(%arg8 : memref<4096xf32, #tpu.memory_space<vmem>>) target_semaphore(%run_scoped3A : memref<!tpu.dma_semaphore, #tpu.memory_space<semaphore_mem>>)
        %dma_wait3A = tpu.memref_slice %arg2[%add3A_436] : memref<12582912xf32, #tpu.memory_space<hbm>> -> memref<4096xf32, #tpu.memory_space<hbm>>
        %dma_wait3A_480 = tpu.memref_slice %arg2[%add3A_436] : memref<12582912xf32, #tpu.memory_space<hbm>> -> memref<4096xf32, #tpu.memory_space<hbm>>
        tpu.wait_dma2 semaphore(%run_scoped3A : memref<!tpu.dma_semaphore, #tpu.memory_space<semaphore_mem>>) src(%dma_wait3A_480 : memref<4096xf32, #tpu.memory_space<hbm>>) dst(%arg8 : memref<4096xf32, #tpu.memory_space<vmem>>)
        tpu.yield
      }) : () -> ()
      %scan3A_437 = arith.constant 0 : i32
      %scan3A_438 = arith.constant 0 : i32
      %scan3A_439 = arith.constant 256 : i32
      %scan3A_440 = arith.addi %scan3A_438, %scan3A_439 : i32
      %scan3A_441 = arith.constant 1 : i32
      scf.for %scan3A_479 = %scan3A_438 to %scan3A_440 step %scan3A_441  : i32 {
        %mul3A_480 = arith.constant 16 : i32
        %mul3A_481 = arith.muli %scan3A_479, %mul3A_480 : i32
        %get3A_482 = arith.index_cast %mul3A_481 : i32 to index
        %get3A_483 = tpu.vector_load %arg6[%get3A_482] {strides = array<i32>} : memref<4096xf32, #tpu.memory_space<vmem>>, vector<16xf32>,
        %get3A_484 = vector.shape_cast %get3A_483 : vector<16xf32> to vector<16xf32>
        %get3A_485 = arith.index_cast %mul3A_481 : i32 to index
        %get3A_486 = tpu.vector_load %arg7[%get3A_485] {strides = array<i32>} : memref<4096xf32, #tpu.memory_space<vmem>>, vector<16xf32>,
        %get3A_487 = vector.shape_cast %get3A_486 : vector<16xf32> to vector<16xf32>
        %get3A_488 = arith.index_cast %mul3A_481 : i32 to index
        %get3A_489 = tpu.vector_load %arg8[%get3A_488] {strides = array<i32>} : memref<4096xf32, #tpu.memory_space<vmem>>, vector<16xf32>,
        %get3A_490 = vector.shape_cast %get3A_489 : vector<16xf32> to vector<16xf32>
        %bitcast_convert_type3A = tpu.bitcast %get3A_484 : vector<16xf32> -> vector<16xi32>
        %shift_right_logical3A = arith.constant 16 : i32
        %shift_right_logical3A_491 = vector.broadcast %shift_right_logical3A : i32 to vector<16xi32>
        %shift_right_logical3A_492 = arith.shrui %bitcast_convert_type3A, %shift_right_logical3A_491 : vector<16xi32>
        %and3A = arith.constant 1 : i32
        %and3A_493 = vector.broadcast %and3A : i32 to vector<16xi32>
        %and3A_494 = arith.andi %shift_right_logical3A_492, %and3A_493 : vector<16xi32>
        %add3A_495 = arith.constant 32767 : i32
        %add3A_496 = vector.broadcast %add3A_495 : i32 to vector<16xi32>
        %add3A_497 = arith.addi %bitcast_convert_type3A, %add3A_496 : vector<16xi32>
        %add3A_498 = arith.addi %add3A_497, %and3A_494 : vector<16xi32>
        %and3A_499 = arith.constant -65536 : i32
        %and3A_500 = vector.broadcast %and3A_499 : i32 to vector<16xi32>
        %and3A_501 = arith.andi %add3A_498, %and3A_500 : vector<16xi32>
        %bitcast_convert_type3A_502 = tpu.bitcast %and3A_501 : vector<16xi32> -> vector<16xf32>
        %bitcast_convert_type3A_503 = tpu.bitcast %get3A_487 : vector<16xf32> -> vector<16xi32>
        %shift_right_logical3A_504 = arith.constant 16 : i32
        %shift_right_logical3A_505 = vector.broadcast %shift_right_logical3A_504 : i32 to vector<16xi32>
        %shift_right_logical3A_506 = arith.shrui %bitcast_convert_type3A_503, %shift_right_logical3A_505 : vector<16xi32>
        %and3A_507 = arith.constant 1 : i32
        %and3A_508 = vector.broadcast %and3A_507 : i32 to vector<16xi32>
        %and3A_509 = arith.andi %shift_right_logical3A_506, %and3A_508 : vector<16xi32>
        %add3A_510 = arith.constant 32767 : i32
        %add3A_511 = vector.broadcast %add3A_510 : i32 to vector<16xi32>
        %add3A_512 = arith.addi %bitcast_convert_type3A_503, %add3A_511 : vector<16xi32>
        %add3A_513 = arith.addi %add3A_512, %and3A_509 : vector<16xi32>
        %and3A_514 = arith.constant -65536 : i32
        %and3A_515 = vector.broadcast %and3A_514 : i32 to vector<16xi32>
        %and3A_516 = arith.andi %add3A_513, %and3A_515 : vector<16xi32>
        %bitcast_convert_type3A_517 = tpu.bitcast %and3A_516 : vector<16xi32> -> vector<16xf32>
        %bitcast_convert_type3A_518 = tpu.bitcast %get3A_490 : vector<16xf32> -> vector<16xi32>
        %shift_right_logical3A_519 = arith.constant 16 : i32
        %shift_right_logical3A_520 = vector.broadcast %shift_right_logical3A_519 : i32 to vector<16xi32>
        %shift_right_logical3A_521 = arith.shrui %bitcast_convert_type3A_518, %shift_right_logical3A_520 : vector<16xi32>
        %and3A_522 = arith.constant 1 : i32
        %and3A_523 = vector.broadcast %and3A_522 : i32 to vector<16xi32>
        %and3A_524 = arith.andi %shift_right_logical3A_521, %and3A_523 : vector<16xi32>
        %add3A_525 = arith.constant 32767 : i32
        %add3A_526 = vector.broadcast %add3A_525 : i32 to vector<16xi32>
        %add3A_527 = arith.addi %bitcast_convert_type3A_518, %add3A_526 : vector<16xi32>
        %add3A_528 = arith.addi %add3A_527, %and3A_524 : vector<16xi32>
        %and3A_529 = arith.constant -65536 : i32
        %and3A_530 = vector.broadcast %and3A_529 : i32 to vector<16xi32>
        %and3A_531 = arith.andi %add3A_528, %and3A_530 : vector<16xi32>
        %bitcast_convert_type3A_532 = tpu.bitcast %and3A_531 : vector<16xi32> -> vector<16xf32>
        %mul3A_533 = arith.mulf %bitcast_convert_type3A_502, %get3A_3 : vector<16xf32>
        %mul3A_534 = arith.mulf %bitcast_convert_type3A_517, %get3A_18 : vector<16xf32>
        %add3A_535 = arith.addf %mul3A_533, %mul3A_534 : vector<16xf32>
        %mul3A_536 = arith.mulf %bitcast_convert_type3A_532, %get3A_33 : vector<16xf32>
        %add3A_537 = arith.addf %add3A_535, %mul3A_536 : vector<16xf32>
        %mul3A_538 = arith.mulf %get3A_93, %add3A_537 : vector<16xf32>
        %add3A_539 = arith.addf %get3A_108, %mul3A_538 : vector<16xf32>
        %max3A = arith.maximumf %add3A_537, %get3A_123 : vector<16xf32>
        %mul3A_540 = arith.mulf %get3A_243, %max3A : vector<16xf32>
        %add3A_541 = arith.addf %add3A_539, %mul3A_540 : vector<16xf32>
        %max3A_542 = arith.maximumf %add3A_537, %get3A_128 : vector<16xf32>
        %mul3A_543 = arith.mulf %get3A_248, %max3A_542 : vector<16xf32>
        %add3A_544 = arith.addf %add3A_541, %mul3A_543 : vector<16xf32>
        %max3A_545 = arith.maximumf %add3A_537, %get3A_133 : vector<16xf32>
        %mul3A_546 = arith.mulf %get3A_253, %max3A_545 : vector<16xf32>
        %add3A_547 = arith.addf %add3A_544, %mul3A_546 : vector<16xf32>
        %max3A_548 = arith.maximumf %add3A_537, %get3A_138 : vector<16xf32>
        %mul3A_549 = arith.mulf %get3A_258, %max3A_548 : vector<16xf32>
        %add3A_550 = arith.addf %add3A_547, %mul3A_549 : vector<16xf32>
        %max3A_551 = arith.maximumf %add3A_537, %get3A_143 : vector<16xf32>
        %mul3A_552 = arith.mulf %get3A_263, %max3A_551 : vector<16xf32>
        %add3A_553 = arith.addf %add3A_550, %mul3A_552 : vector<16xf32>
        %max3A_554 = arith.maximumf %add3A_537, %get3A_148 : vector<16xf32>
        %mul3A_555 = arith.mulf %get3A_268, %max3A_554 : vector<16xf32>
        %add3A_556 = arith.addf %add3A_553, %mul3A_555 : vector<16xf32>
        %max3A_557 = arith.maximumf %add3A_537, %get3A_153 : vector<16xf32>
        %mul3A_558 = arith.mulf %get3A_273, %max3A_557 : vector<16xf32>
        %add3A_559 = arith.addf %add3A_556, %mul3A_558 : vector<16xf32>
        %max3A_560 = arith.maximumf %add3A_537, %get3A_158 : vector<16xf32>
        %mul3A_561 = arith.mulf %get3A_278, %max3A_560 : vector<16xf32>
        %add3A_562 = arith.addf %add3A_559, %mul3A_561 : vector<16xf32>
        %lt3A = arith.cmpf olt, %add3A_537, %get3A_363 : vector<16xf32>
        %gt3A = arith.cmpf ogt, %add3A_537, %get3A_378 : vector<16xf32>
        %or3A = arith.ori %lt3A, %gt3A : vector<16xi1>
        %jit3A = arith.constant 9.900000e+01 : f32
        %broadcast_in_dim3A = vector.broadcast %jit3A : f32 to vector<16xf32>
        %select_n3A = arith.select %or3A, %broadcast_in_dim3A, %add3A_562 : vector<16xi1>, vector<16xf32>
        %bitcast_convert_type3A_563 = tpu.bitcast %select_n3A : vector<16xf32> -> vector<16xi32>
        %shift_right_logical3A_564 = arith.constant 16 : i32
        %shift_right_logical3A_565 = vector.broadcast %shift_right_logical3A_564 : i32 to vector<16xi32>
        %shift_right_logical3A_566 = arith.shrui %bitcast_convert_type3A_563, %shift_right_logical3A_565 : vector<16xi32>
        %and3A_567 = arith.constant 1 : i32
        %and3A_568 = vector.broadcast %and3A_567 : i32 to vector<16xi32>
        %and3A_569 = arith.andi %shift_right_logical3A_566, %and3A_568 : vector<16xi32>
        %add3A_570 = arith.constant 32767 : i32
        %add3A_571 = vector.broadcast %add3A_570 : i32 to vector<16xi32>
        %add3A_572 = arith.addi %bitcast_convert_type3A_563, %add3A_571 : vector<16xi32>
        %add3A_573 = arith.addi %add3A_572, %and3A_569 : vector<16xi32>
        %and3A_574 = arith.constant -65536 : i32
        %and3A_575 = vector.broadcast %and3A_574 : i32 to vector<16xi32>
        %and3A_576 = arith.andi %add3A_573, %and3A_575 : vector<16xi32>
        %bitcast_convert_type3A_577 = tpu.bitcast %and3A_576 : vector<16xi32> -> vector<16xf32>
        %mul3A_578 = arith.mulf %bitcast_convert_type3A_502, %get3A_8 : vector<16xf32>
        %mul3A_579 = arith.mulf %bitcast_convert_type3A_517, %get3A_23 : vector<16xf32>
        %add3A_580 = arith.addf %mul3A_578, %mul3A_579 : vector<16xf32>
        %mul3A_581 = arith.mulf %bitcast_convert_type3A_532, %get3A_38 : vector<16xf32>
        %add3A_582 = arith.addf %add3A_580, %mul3A_581 : vector<16xf32>
        %mul3A_583 = arith.mulf %get3A_98, %add3A_582 : vector<16xf32>
        %add3A_584 = arith.addf %get3A_113, %mul3A_583 : vector<16xf32>
        %max3A_585 = arith.maximumf %add3A_582, %get3A_163 : vector<16xf32>
        %mul3A_586 = arith.mulf %get3A_283, %max3A_585 : vector<16xf32>
        %add3A_587 = arith.addf %add3A_584, %mul3A_586 : vector<16xf32>
        %max3A_588 = arith.maximumf %add3A_582, %get3A_168 : vector<16xf32>
        %mul3A_589 = arith.mulf %get3A_288, %max3A_588 : vector<16xf32>
        %add3A_590 = arith.addf %add3A_587, %mul3A_589 : vector<16xf32>
        %max3A_591 = arith.maximumf %add3A_582, %get3A_173 : vector<16xf32>
        %mul3A_592 = arith.mulf %get3A_293, %max3A_591 : vector<16xf32>
        %add3A_593 = arith.addf %add3A_590, %mul3A_592 : vector<16xf32>
        %max3A_594 = arith.maximumf %add3A_582, %get3A_178 : vector<16xf32>
        %mul3A_595 = arith.mulf %get3A_298, %max3A_594 : vector<16xf32>
        %add3A_596 = arith.addf %add3A_593, %mul3A_595 : vector<16xf32>
        %max3A_597 = arith.maximumf %add3A_582, %get3A_183 : vector<16xf32>
        %mul3A_598 = arith.mulf %get3A_303, %max3A_597 : vector<16xf32>
        %add3A_599 = arith.addf %add3A_596, %mul3A_598 : vector<16xf32>
        %max3A_600 = arith.maximumf %add3A_582, %get3A_188 : vector<16xf32>
        %mul3A_601 = arith.mulf %get3A_308, %max3A_600 : vector<16xf32>
        %add3A_602 = arith.addf %add3A_599, %mul3A_601 : vector<16xf32>
        %max3A_603 = arith.maximumf %add3A_582, %get3A_193 : vector<16xf32>
        %mul3A_604 = arith.mulf %get3A_313, %max3A_603 : vector<16xf32>
        %add3A_605 = arith.addf %add3A_602, %mul3A_604 : vector<16xf32>
        %max3A_606 = arith.maximumf %add3A_582, %get3A_198 : vector<16xf32>
        %mul3A_607 = arith.mulf %get3A_318, %max3A_606 : vector<16xf32>
        %add3A_608 = arith.addf %add3A_605, %mul3A_607 : vector<16xf32>
        %lt3A_609 = arith.cmpf olt, %add3A_582, %get3A_368 : vector<16xf32>
        %gt3A_610 = arith.cmpf ogt, %add3A_582, %get3A_383 : vector<16xf32>
        %or3A_611 = arith.ori %lt3A_609, %gt3A_610 : vector<16xi1>
        %jit3A_612 = arith.constant 9.900000e+01 : f32
        %broadcast_in_dim3A_613 = vector.broadcast %jit3A_612 : f32 to vector<16xf32>
        %select_n3A_614 = arith.select %or3A_611, %broadcast_in_dim3A_613, %add3A_608 : vector<16xi1>, vector<16xf32>
        %bitcast_convert_type3A_615 = tpu.bitcast %select_n3A_614 : vector<16xf32> -> vector<16xi32>
        %shift_right_logical3A_616 = arith.constant 16 : i32
        %shift_right_logical3A_617 = vector.broadcast %shift_right_logical3A_616 : i32 to vector<16xi32>
        %shift_right_logical3A_618 = arith.shrui %bitcast_convert_type3A_615, %shift_right_logical3A_617 : vector<16xi32>
        %and3A_619 = arith.constant 1 : i32
        %and3A_620 = vector.broadcast %and3A_619 : i32 to vector<16xi32>
        %and3A_621 = arith.andi %shift_right_logical3A_618, %and3A_620 : vector<16xi32>
        %add3A_622 = arith.constant 32767 : i32
        %add3A_623 = vector.broadcast %add3A_622 : i32 to vector<16xi32>
        %add3A_624 = arith.addi %bitcast_convert_type3A_615, %add3A_623 : vector<16xi32>
        %add3A_625 = arith.addi %add3A_624, %and3A_621 : vector<16xi32>
        %and3A_626 = arith.constant -65536 : i32
        %and3A_627 = vector.broadcast %and3A_626 : i32 to vector<16xi32>
        %and3A_628 = arith.andi %add3A_625, %and3A_627 : vector<16xi32>
        %bitcast_convert_type3A_629 = tpu.bitcast %and3A_628 : vector<16xi32> -> vector<16xf32>
        %mul3A_630 = arith.mulf %bitcast_convert_type3A_502, %get3A_13 : vector<16xf32>
        %mul3A_631 = arith.mulf %bitcast_convert_type3A_517, %get3A_28 : vector<16xf32>
        %add3A_632 = arith.addf %mul3A_630, %mul3A_631 : vector<16xf32>
        %mul3A_633 = arith.mulf %bitcast_convert_type3A_532, %get3A_43 : vector<16xf32>
        %add3A_634 = arith.addf %add3A_632, %mul3A_633 : vector<16xf32>
        %mul3A_635 = arith.mulf %get3A_103, %add3A_634 : vector<16xf32>
        %add3A_636 = arith.addf %get3A_118, %mul3A_635 : vector<16xf32>
        %max3A_637 = arith.maximumf %add3A_634, %get3A_203 : vector<16xf32>
        %mul3A_638 = arith.mulf %get3A_323, %max3A_637 : vector<16xf32>
        %add3A_639 = arith.addf %add3A_636, %mul3A_638 : vector<16xf32>
        %max3A_640 = arith.maximumf %add3A_634, %get3A_208 : vector<16xf32>
        %mul3A_641 = arith.mulf %get3A_328, %max3A_640 : vector<16xf32>
        %add3A_642 = arith.addf %add3A_639, %mul3A_641 : vector<16xf32>
        %max3A_643 = arith.maximumf %add3A_634, %get3A_213 : vector<16xf32>
        %mul3A_644 = arith.mulf %get3A_333, %max3A_643 : vector<16xf32>
        %add3A_645 = arith.addf %add3A_642, %mul3A_644 : vector<16xf32>
        %max3A_646 = arith.maximumf %add3A_634, %get3A_218 : vector<16xf32>
        %mul3A_647 = arith.mulf %get3A_338, %max3A_646 : vector<16xf32>
        %add3A_648 = arith.addf %add3A_645, %mul3A_647 : vector<16xf32>
        %max3A_649 = arith.maximumf %add3A_634, %get3A_223 : vector<16xf32>
        %mul3A_650 = arith.mulf %get3A_343, %max3A_649 : vector<16xf32>
        %add3A_651 = arith.addf %add3A_648, %mul3A_650 : vector<16xf32>
        %max3A_652 = arith.maximumf %add3A_634, %get3A_228 : vector<16xf32>
        %mul3A_653 = arith.mulf %get3A_348, %max3A_652 : vector<16xf32>
        %add3A_654 = arith.addf %add3A_651, %mul3A_653 : vector<16xf32>
        %max3A_655 = arith.maximumf %add3A_634, %get3A_233 : vector<16xf32>
        %mul3A_656 = arith.mulf %get3A_353, %max3A_655 : vector<16xf32>
        %add3A_657 = arith.addf %add3A_654, %mul3A_656 : vector<16xf32>
        %max3A_658 = arith.maximumf %add3A_634, %get3A_238 : vector<16xf32>
        %mul3A_659 = arith.mulf %get3A_358, %max3A_658 : vector<16xf32>
        %add3A_660 = arith.addf %add3A_657, %mul3A_659 : vector<16xf32>
        %lt3A_661 = arith.cmpf olt, %add3A_634, %get3A_373 : vector<16xf32>
        %gt3A_662 = arith.cmpf ogt, %add3A_634, %get3A_388 : vector<16xf32>
        %or3A_663 = arith.ori %lt3A_661, %gt3A_662 : vector<16xi1>
        %jit3A_664 = arith.constant 9.900000e+01 : f32
        %broadcast_in_dim3A_665 = vector.broadcast %jit3A_664 : f32 to vector<16xf32>
        %select_n3A_666 = arith.select %or3A_663, %broadcast_in_dim3A_665, %add3A_660 : vector<16xi1>, vector<16xf32>
        %bitcast_convert_type3A_667 = tpu.bitcast %select_n3A_666 : vector<16xf32> -> vector<16xi32>
        %shift_right_logical3A_668 = arith.constant 16 : i32
        %shift_right_logical3A_669 = vector.broadcast %shift_right_logical3A_668 : i32 to vector<16xi32>
        %shift_right_logical3A_670 = arith.shrui %bitcast_convert_type3A_667, %shift_right_logical3A_669 : vector<16xi32>
        %and3A_671 = arith.constant 1 : i32
        %and3A_672 = vector.broadcast %and3A_671 : i32 to vector<16xi32>
        %and3A_673 = arith.andi %shift_right_logical3A_670, %and3A_672 : vector<16xi32>
        %add3A_674 = arith.constant 32767 : i32
        %add3A_675 = vector.broadcast %add3A_674 : i32 to vector<16xi32>
        %add3A_676 = arith.addi %bitcast_convert_type3A_667, %add3A_675 : vector<16xi32>
        %add3A_677 = arith.addi %add3A_676, %and3A_673 : vector<16xi32>
        %and3A_678 = arith.constant -65536 : i32
        %and3A_679 = vector.broadcast %and3A_678 : i32 to vector<16xi32>
        %and3A_680 = arith.andi %add3A_677, %and3A_679 : vector<16xi32>
        %bitcast_convert_type3A_681 = tpu.bitcast %and3A_680 : vector<16xi32> -> vector<16xf32>
        %mul3A_682 = arith.mulf %bitcast_convert_type3A_577, %get3A_48 : vector<16xf32>
        %mul3A_683 = arith.mulf %bitcast_convert_type3A_629, %get3A_63 : vector<16xf32>
        %add3A_684 = arith.addf %mul3A_682, %mul3A_683 : vector<16xf32>
        %mul3A_685 = arith.mulf %bitcast_convert_type3A_681, %get3A_78 : vector<16xf32>
        %add3A_686 = arith.addf %add3A_684, %mul3A_685 : vector<16xf32>
        %mul3A_687 = arith.mulf %bitcast_convert_type3A_577, %get3A_53 : vector<16xf32>
        %mul3A_688 = arith.mulf %bitcast_convert_type3A_629, %get3A_68 : vector<16xf32>
        %add3A_689 = arith.addf %mul3A_687, %mul3A_688 : vector<16xf32>
        %mul3A_690 = arith.mulf %bitcast_convert_type3A_681, %get3A_83 : vector<16xf32>
        %add3A_691 = arith.addf %add3A_689, %mul3A_690 : vector<16xf32>
        %mul3A_692 = arith.mulf %bitcast_convert_type3A_577, %get3A_58 : vector<16xf32>
        %mul3A_693 = arith.mulf %bitcast_convert_type3A_629, %get3A_73 : vector<16xf32>
        %add3A_694 = arith.addf %mul3A_692, %mul3A_693 : vector<16xf32>
        %mul3A_695 = arith.mulf %bitcast_convert_type3A_681, %get3A_88 : vector<16xf32>
        %add3A_696 = arith.addf %add3A_694, %mul3A_695 : vector<16xf32>
        %swap3A = arith.index_cast %mul3A_481 : i32 to index
        %swap3A_697 = tpu.vector_load %arg9[%swap3A] {strides = array<i32>} : memref<4096xf32, #tpu.memory_space<vmem>>, vector<16xf32>,
        %swap3A_698 = vector.shape_cast %swap3A_697 : vector<16xf32> to vector<16xf32>
        %swap3A_699 = vector.shape_cast %add3A_686 : vector<16xf32> to vector<16xf32>
        tpu.vector_store %arg9[%swap3A], %swap3A_699 {strides = array<i32>} : memref<4096xf32, #tpu.memory_space<vmem>>, vector<16xf32>,
        %swap3A_700 = arith.index_cast %mul3A_481 : i32 to index
        %swap3A_701 = tpu.vector_load %arg10[%swap3A_700] {strides = array<i32>} : memref<4096xf32, #tpu.memory_space<vmem>>, vector<16xf32>,
        %swap3A_702 = vector.shape_cast %swap3A_701 : vector<16xf32> to vector<16xf32>
        %swap3A_703 = vector.shape_cast %add3A_691 : vector<16xf32> to vector<16xf32>
        tpu.vector_store %arg10[%swap3A_700], %swap3A_703 {strides = array<i32>} : memref<4096xf32, #tpu.memory_space<vmem>>, vector<16xf32>,
        %swap3A_704 = arith.index_cast %mul3A_481 : i32 to index
        %swap3A_705 = tpu.vector_load %arg11[%swap3A_704] {strides = array<i32>} : memref<4096xf32, #tpu.memory_space<vmem>>, vector<16xf32>,
        %swap3A_706 = vector.shape_cast %swap3A_705 : vector<16xf32> to vector<16xf32>
        %swap3A_707 = vector.shape_cast %add3A_696 : vector<16xf32> to vector<16xf32>
        tpu.vector_store %arg11[%swap3A_704], %swap3A_707 {strides = array<i32>} : memref<4096xf32, #tpu.memory_space<vmem>>, vector<16xf32>,
      }
      %scan3A_442 = arith.constant 256 : i32
      %mul3A_443 = arith.constant 3 : i32
      %mul3A_444 = arith.muli %arg1, %mul3A_443 : i32
      %add3A_445 = arith.constant 0 : i32
      %add3A_446 = arith.addi %mul3A_444, %add3A_445 : i32
      %mul3A_447 = arith.constant 112 : i32
      %mul3A_448 = arith.muli %add3A_446, %mul3A_447 : i32
      %mul3A_449 = arith.constant 512 : i32
      %mul3A_450 = arith.muli %mul3A_448, %mul3A_449 : i32
      %mul3A_451 = arith.constant 28672 : i32
      %mul3A_452 = arith.muli %arg0, %mul3A_451 : i32
      %add3A_453 = arith.addi %mul3A_450, %mul3A_452 : i32
      %add3A_454 = arith.addi %add3A_453, %mul3A_395 : i32
      "tpu.region"() ({
        %run_scoped3A = tpu.sem_alloc : memref<!tpu.dma_semaphore, #tpu.memory_space<semaphore_mem>>
        %dma_start3A = tpu.memref_slice %arg4[%add3A_454] : memref<2752512xf32, #tpu.memory_space<hbm>> -> memref<4096xf32, #tpu.memory_space<hbm>>
        %dma_start3A_479 = tpu.memref_slice %arg4[%add3A_454] : memref<2752512xf32, #tpu.memory_space<hbm>> -> memref<4096xf32, #tpu.memory_space<hbm>>
        tpu.enqueue_dma source(%arg9 : memref<4096xf32, #tpu.memory_space<vmem>>) target(%dma_start3A_479 : memref<4096xf32, #tpu.memory_space<hbm>>) target_semaphore(%run_scoped3A : memref<!tpu.dma_semaphore, #tpu.memory_space<semaphore_mem>>)
        %dma_wait3A = tpu.memref_slice %arg4[%add3A_454] : memref<2752512xf32, #tpu.memory_space<hbm>> -> memref<4096xf32, #tpu.memory_space<hbm>>
        %dma_wait3A_480 = tpu.memref_slice %arg4[%add3A_454] : memref<2752512xf32, #tpu.memory_space<hbm>> -> memref<4096xf32, #tpu.memory_space<hbm>>
        tpu.wait_dma2 semaphore(%run_scoped3A : memref<!tpu.dma_semaphore, #tpu.memory_space<semaphore_mem>>) src(%arg9 : memref<4096xf32, #tpu.memory_space<vmem>>) dst(%dma_wait3A_480 : memref<4096xf32, #tpu.memory_space<hbm>>)
        tpu.yield
      }) : () -> ()
      %mul3A_455 = arith.constant 3 : i32
      %mul3A_456 = arith.muli %arg1, %mul3A_455 : i32
      %add3A_457 = arith.constant 1 : i32
      %add3A_458 = arith.addi %mul3A_456, %add3A_457 : i32
      %mul3A_459 = arith.constant 112 : i32
      %mul3A_460 = arith.muli %add3A_458, %mul3A_459 : i32
      %mul3A_461 = arith.constant 512 : i32
      %mul3A_462 = arith.muli %mul3A_460, %mul3A_461 : i32
      %mul3A_463 = arith.constant 28672 : i32
      %mul3A_464 = arith.muli %arg0, %mul3A_463 : i32
      %add3A_465 = arith.addi %mul3A_462, %mul3A_464 : i32
      %add3A_466 = arith.addi %add3A_465, %mul3A_395 : i32
      "tpu.region"() ({
        %run_scoped3A = tpu.sem_alloc : memref<!tpu.dma_semaphore, #tpu.memory_space<semaphore_mem>>
        %dma_start3A = tpu.memref_slice %arg4[%add3A_466] : memref<2752512xf32, #tpu.memory_space<hbm>> -> memref<4096xf32, #tpu.memory_space<hbm>>
        %dma_start3A_479 = tpu.memref_slice %arg4[%add3A_466] : memref<2752512xf32, #tpu.memory_space<hbm>> -> memref<4096xf32, #tpu.memory_space<hbm>>
        tpu.enqueue_dma source(%arg10 : memref<4096xf32, #tpu.memory_space<vmem>>) target(%dma_start3A_479 : memref<4096xf32, #tpu.memory_space<hbm>>) target_semaphore(%run_scoped3A : memref<!tpu.dma_semaphore, #tpu.memory_space<semaphore_mem>>)
        %dma_wait3A = tpu.memref_slice %arg4[%add3A_466] : memref<2752512xf32, #tpu.memory_space<hbm>> -> memref<4096xf32, #tpu.memory_space<hbm>>
        %dma_wait3A_480 = tpu.memref_slice %arg4[%add3A_466] : memref<2752512xf32, #tpu.memory_space<hbm>> -> memref<4096xf32, #tpu.memory_space<hbm>>
        tpu.wait_dma2 semaphore(%run_scoped3A : memref<!tpu.dma_semaphore, #tpu.memory_space<semaphore_mem>>) src(%arg10 : memref<4096xf32, #tpu.memory_space<vmem>>) dst(%dma_wait3A_480 : memref<4096xf32, #tpu.memory_space<hbm>>)
        tpu.yield
      }) : () -> ()
      %mul3A_467 = arith.constant 3 : i32
      %mul3A_468 = arith.muli %arg1, %mul3A_467 : i32
      %add3A_469 = arith.constant 2 : i32
      %add3A_470 = arith.addi %mul3A_468, %add3A_469 : i32
      %mul3A_471 = arith.constant 112 : i32
      %mul3A_472 = arith.muli %add3A_470, %mul3A_471 : i32
      %mul3A_473 = arith.constant 512 : i32
      %mul3A_474 = arith.muli %mul3A_472, %mul3A_473 : i32
      %mul3A_475 = arith.constant 28672 : i32
      %mul3A_476 = arith.muli %arg0, %mul3A_475 : i32
      %add3A_477 = arith.addi %mul3A_474, %mul3A_476 : i32
      %add3A_478 = arith.addi %add3A_477, %mul3A_395 : i32
      "tpu.region"() ({
        %run_scoped3A = tpu.sem_alloc : memref<!tpu.dma_semaphore, #tpu.memory_space<semaphore_mem>>
        %dma_start3A = tpu.memref_slice %arg4[%add3A_478] : memref<2752512xf32, #tpu.memory_space<hbm>> -> memref<4096xf32, #tpu.memory_space<hbm>>
        %dma_start3A_479 = tpu.memref_slice %arg4[%add3A_478] : memref<2752512xf32, #tpu.memory_space<hbm>> -> memref<4096xf32, #tpu.memory_space<hbm>>
        tpu.enqueue_dma source(%arg11 : memref<4096xf32, #tpu.memory_space<vmem>>) target(%dma_start3A_479 : memref<4096xf32, #tpu.memory_space<hbm>>) target_semaphore(%run_scoped3A : memref<!tpu.dma_semaphore, #tpu.memory_space<semaphore_mem>>)
        %dma_wait3A = tpu.memref_slice %arg4[%add3A_478] : memref<2752512xf32, #tpu.memory_space<hbm>> -> memref<4096xf32, #tpu.memory_space<hbm>>
        %dma_wait3A_480 = tpu.memref_slice %arg4[%add3A_478] : memref<2752512xf32, #tpu.memory_space<hbm>> -> memref<4096xf32, #tpu.memory_space<hbm>>
        tpu.wait_dma2 semaphore(%run_scoped3A : memref<!tpu.dma_semaphore, #tpu.memory_space<semaphore_mem>>) src(%arg11 : memref<4096xf32, #tpu.memory_space<vmem>>) dst(%dma_wait3A_480 : memref<4096xf32, #tpu.memory_space<hbm>>)
        tpu.yield
      }) : () -> ()
    }
    %scan3A_393 = arith.constant 7 : i32
    return
  }
}

module attributes {stable_mosaic.version = 14 : i64} {
  func.func @_tc_body(%arg0: i32, %arg1: i32, %arg2: memref<1x1x80xf32, #tpu.memory_space<smem>>, %arg3: memref<1x3x200x512xf32, #tpu.memory_space<vmem>>, %arg4: memref<1x3x200x512xf32, #tpu.memory_space<vmem>>) attributes {dimension_semantics = [#tpu.dimension_semantics<arbitrary>, #tpu.dimension_semantics<arbitrary>], iteration_bounds = array<i64: 16, 2>, scalar_prefetch = 0 : i64, scratch_operands = 0 : i64, tpu.core_type = #tpu.core_type<tc>, window_params = [{transform_indices = @transform_0, window_bounds = array<i64: 1, 1, 80>}, {transform_indices = @transform_1, window_bounds = array<i64: 1, 3, 200, 512>}, {transform_indices = @transform_2, window_bounds = array<i64: 1, 3, 200, 512>}]} {
    %get3A = arith.constant 0 : index
    %get3A_0 = arith.constant 0 : index
    %get3A_1 = arith.constant 0 : index
    %get3A_2 = arith.constant 0 : index
    %get3A_3 = vector.load %arg3[%get3A, %get3A_0, %get3A_1, %get3A_2] : memref<1x3x200x512xf32, #tpu.memory_space<vmem>>, vector<1x1x200x512xf32>
    %get3A_4 = vector.shape_cast %get3A_3 : vector<1x1x200x512xf32> to vector<200x512xf32>
    %get3A_5 = arith.constant 0 : index
    %get3A_6 = arith.constant 1 : index
    %get3A_7 = arith.constant 0 : index
    %get3A_8 = arith.constant 0 : index
    %get3A_9 = vector.load %arg3[%get3A_5, %get3A_6, %get3A_7, %get3A_8] : memref<1x3x200x512xf32, #tpu.memory_space<vmem>>, vector<1x1x200x512xf32>
    %get3A_10 = vector.shape_cast %get3A_9 : vector<1x1x200x512xf32> to vector<200x512xf32>
    %get3A_11 = arith.constant 0 : index
    %get3A_12 = arith.constant 2 : index
    %get3A_13 = arith.constant 0 : index
    %get3A_14 = arith.constant 0 : index
    %get3A_15 = vector.load %arg3[%get3A_11, %get3A_12, %get3A_13, %get3A_14] : memref<1x3x200x512xf32, #tpu.memory_space<vmem>>, vector<1x1x200x512xf32>
    %get3A_16 = vector.shape_cast %get3A_15 : vector<1x1x200x512xf32> to vector<200x512xf32>
    %bitcast_convert_type3A = tpu.bitcast %get3A_4 : vector<200x512xf32> -> vector<200x512xi32>
    %shift_right_logical3A = arith.constant 16 : i32
    %shift_right_logical3A_17 = vector.broadcast %shift_right_logical3A : i32 to vector<200x512xi32>
    %shift_right_logical3A_18 = arith.shrui %bitcast_convert_type3A, %shift_right_logical3A_17 : vector<200x512xi32>
    %and3A = arith.constant 1 : i32
    %and3A_19 = vector.broadcast %and3A : i32 to vector<200x512xi32>
    %and3A_20 = arith.andi %shift_right_logical3A_18, %and3A_19 : vector<200x512xi32>
    %add3A = arith.constant 32767 : i32
    %add3A_21 = vector.broadcast %add3A : i32 to vector<200x512xi32>
    %add3A_22 = arith.addi %bitcast_convert_type3A, %add3A_21 : vector<200x512xi32>
    %add3A_23 = arith.addi %add3A_22, %and3A_20 : vector<200x512xi32>
    %and3A_24 = arith.constant -65536 : i32
    %and3A_25 = vector.broadcast %and3A_24 : i32 to vector<200x512xi32>
    %and3A_26 = arith.andi %add3A_23, %and3A_25 : vector<200x512xi32>
    %bitcast_convert_type3A_27 = tpu.bitcast %and3A_26 : vector<200x512xi32> -> vector<200x512xf32>
    %bitcast_convert_type3A_28 = tpu.bitcast %get3A_10 : vector<200x512xf32> -> vector<200x512xi32>
    %shift_right_logical3A_29 = arith.constant 16 : i32
    %shift_right_logical3A_30 = vector.broadcast %shift_right_logical3A_29 : i32 to vector<200x512xi32>
    %shift_right_logical3A_31 = arith.shrui %bitcast_convert_type3A_28, %shift_right_logical3A_30 : vector<200x512xi32>
    %and3A_32 = arith.constant 1 : i32
    %and3A_33 = vector.broadcast %and3A_32 : i32 to vector<200x512xi32>
    %and3A_34 = arith.andi %shift_right_logical3A_31, %and3A_33 : vector<200x512xi32>
    %add3A_35 = arith.constant 32767 : i32
    %add3A_36 = vector.broadcast %add3A_35 : i32 to vector<200x512xi32>
    %add3A_37 = arith.addi %bitcast_convert_type3A_28, %add3A_36 : vector<200x512xi32>
    %add3A_38 = arith.addi %add3A_37, %and3A_34 : vector<200x512xi32>
    %and3A_39 = arith.constant -65536 : i32
    %and3A_40 = vector.broadcast %and3A_39 : i32 to vector<200x512xi32>
    %and3A_41 = arith.andi %add3A_38, %and3A_40 : vector<200x512xi32>
    %bitcast_convert_type3A_42 = tpu.bitcast %and3A_41 : vector<200x512xi32> -> vector<200x512xf32>
    %bitcast_convert_type3A_43 = tpu.bitcast %get3A_16 : vector<200x512xf32> -> vector<200x512xi32>
    %shift_right_logical3A_44 = arith.constant 16 : i32
    %shift_right_logical3A_45 = vector.broadcast %shift_right_logical3A_44 : i32 to vector<200x512xi32>
    %shift_right_logical3A_46 = arith.shrui %bitcast_convert_type3A_43, %shift_right_logical3A_45 : vector<200x512xi32>
    %and3A_47 = arith.constant 1 : i32
    %and3A_48 = vector.broadcast %and3A_47 : i32 to vector<200x512xi32>
    %and3A_49 = arith.andi %shift_right_logical3A_46, %and3A_48 : vector<200x512xi32>
    %add3A_50 = arith.constant 32767 : i32
    %add3A_51 = vector.broadcast %add3A_50 : i32 to vector<200x512xi32>
    %add3A_52 = arith.addi %bitcast_convert_type3A_43, %add3A_51 : vector<200x512xi32>
    %add3A_53 = arith.addi %add3A_52, %and3A_49 : vector<200x512xi32>
    %and3A_54 = arith.constant -65536 : i32
    %and3A_55 = vector.broadcast %and3A_54 : i32 to vector<200x512xi32>
    %and3A_56 = arith.andi %add3A_53, %and3A_55 : vector<200x512xi32>
    %bitcast_convert_type3A_57 = tpu.bitcast %and3A_56 : vector<200x512xi32> -> vector<200x512xf32>
    %get3A_58 = arith.constant 0 : index
    %get3A_59 = arith.constant 0 : index
    %get3A_60 = arith.constant 0 : index
    %get3A_61 = memref.load %arg2[%get3A_58, %get3A_59, %get3A_60] : memref<1x1x80xf32, #tpu.memory_space<smem>>
    %mul3A = vector.broadcast %get3A_61 : f32 to vector<200x512xf32>
    %mul3A_62 = arith.mulf %bitcast_convert_type3A_27, %mul3A : vector<200x512xf32>
    %get3A_63 = arith.constant 0 : index
    %get3A_64 = arith.constant 0 : index
    %get3A_65 = arith.constant 3 : index
    %get3A_66 = memref.load %arg2[%get3A_63, %get3A_64, %get3A_65] : memref<1x1x80xf32, #tpu.memory_space<smem>>
    %mul3A_67 = vector.broadcast %get3A_66 : f32 to vector<200x512xf32>
    %mul3A_68 = arith.mulf %bitcast_convert_type3A_42, %mul3A_67 : vector<200x512xf32>
    %add3A_69 = arith.addf %mul3A_62, %mul3A_68 : vector<200x512xf32>
    %get3A_70 = arith.constant 0 : index
    %get3A_71 = arith.constant 0 : index
    %get3A_72 = arith.constant 6 : index
    %get3A_73 = memref.load %arg2[%get3A_70, %get3A_71, %get3A_72] : memref<1x1x80xf32, #tpu.memory_space<smem>>
    %mul3A_74 = vector.broadcast %get3A_73 : f32 to vector<200x512xf32>
    %mul3A_75 = arith.mulf %bitcast_convert_type3A_57, %mul3A_74 : vector<200x512xf32>
    %add3A_76 = arith.addf %add3A_69, %mul3A_75 : vector<200x512xf32>
    %get3A_77 = arith.constant 0 : index
    %get3A_78 = arith.constant 0 : index
    %get3A_79 = arith.constant 21 : index
    %get3A_80 = memref.load %arg2[%get3A_77, %get3A_78, %get3A_79] : memref<1x1x80xf32, #tpu.memory_space<smem>>
    %get3A_81 = arith.constant 0 : index
    %get3A_82 = arith.constant 0 : index
    %get3A_83 = arith.constant 18 : index
    %get3A_84 = memref.load %arg2[%get3A_81, %get3A_82, %get3A_83] : memref<1x1x80xf32, #tpu.memory_space<smem>>
    %mul3A_85 = vector.broadcast %get3A_84 : f32 to vector<200x512xf32>
    %mul3A_86 = arith.mulf %mul3A_85, %add3A_76 : vector<200x512xf32>
    %add3A_87 = vector.broadcast %get3A_80 : f32 to vector<200x512xf32>
    %add3A_88 = arith.addf %add3A_87, %mul3A_86 : vector<200x512xf32>
    %get3A_89 = arith.constant 0 : index
    %get3A_90 = arith.constant 0 : index
    %get3A_91 = arith.constant 48 : index
    %get3A_92 = memref.load %arg2[%get3A_89, %get3A_90, %get3A_91] : memref<1x1x80xf32, #tpu.memory_space<smem>>
    %get3A_93 = arith.constant 0 : index
    %get3A_94 = arith.constant 0 : index
    %get3A_95 = arith.constant 24 : index
    %get3A_96 = memref.load %arg2[%get3A_93, %get3A_94, %get3A_95] : memref<1x1x80xf32, #tpu.memory_space<smem>>
    %max3A = vector.broadcast %get3A_96 : f32 to vector<200x512xf32>
    %max3A_97 = arith.maximumf %add3A_76, %max3A : vector<200x512xf32>
    %mul3A_98 = vector.broadcast %get3A_92 : f32 to vector<200x512xf32>
    %mul3A_99 = arith.mulf %mul3A_98, %max3A_97 : vector<200x512xf32>
    %add3A_100 = arith.addf %add3A_88, %mul3A_99 : vector<200x512xf32>
    %get3A_101 = arith.constant 0 : index
    %get3A_102 = arith.constant 0 : index
    %get3A_103 = arith.constant 49 : index
    %get3A_104 = memref.load %arg2[%get3A_101, %get3A_102, %get3A_103] : memref<1x1x80xf32, #tpu.memory_space<smem>>
    %get3A_105 = arith.constant 0 : index
    %get3A_106 = arith.constant 0 : index
    %get3A_107 = arith.constant 25 : index
    %get3A_108 = memref.load %arg2[%get3A_105, %get3A_106, %get3A_107] : memref<1x1x80xf32, #tpu.memory_space<smem>>
    %max3A_109 = vector.broadcast %get3A_108 : f32 to vector<200x512xf32>
    %max3A_110 = arith.maximumf %add3A_76, %max3A_109 : vector<200x512xf32>
    %mul3A_111 = vector.broadcast %get3A_104 : f32 to vector<200x512xf32>
    %mul3A_112 = arith.mulf %mul3A_111, %max3A_110 : vector<200x512xf32>
    %add3A_113 = arith.addf %add3A_100, %mul3A_112 : vector<200x512xf32>
    %get3A_114 = arith.constant 0 : index
    %get3A_115 = arith.constant 0 : index
    %get3A_116 = arith.constant 50 : index
    %get3A_117 = memref.load %arg2[%get3A_114, %get3A_115, %get3A_116] : memref<1x1x80xf32, #tpu.memory_space<smem>>
    %get3A_118 = arith.constant 0 : index
    %get3A_119 = arith.constant 0 : index
    %get3A_120 = arith.constant 26 : index
    %get3A_121 = memref.load %arg2[%get3A_118, %get3A_119, %get3A_120] : memref<1x1x80xf32, #tpu.memory_space<smem>>
    %max3A_122 = vector.broadcast %get3A_121 : f32 to vector<200x512xf32>
    %max3A_123 = arith.maximumf %add3A_76, %max3A_122 : vector<200x512xf32>
    %mul3A_124 = vector.broadcast %get3A_117 : f32 to vector<200x512xf32>
    %mul3A_125 = arith.mulf %mul3A_124, %max3A_123 : vector<200x512xf32>
    %add3A_126 = arith.addf %add3A_113, %mul3A_125 : vector<200x512xf32>
    %get3A_127 = arith.constant 0 : index
    %get3A_128 = arith.constant 0 : index
    %get3A_129 = arith.constant 51 : index
    %get3A_130 = memref.load %arg2[%get3A_127, %get3A_128, %get3A_129] : memref<1x1x80xf32, #tpu.memory_space<smem>>
    %get3A_131 = arith.constant 0 : index
    %get3A_132 = arith.constant 0 : index
    %get3A_133 = arith.constant 27 : index
    %get3A_134 = memref.load %arg2[%get3A_131, %get3A_132, %get3A_133] : memref<1x1x80xf32, #tpu.memory_space<smem>>
    %max3A_135 = vector.broadcast %get3A_134 : f32 to vector<200x512xf32>
    %max3A_136 = arith.maximumf %add3A_76, %max3A_135 : vector<200x512xf32>
    %mul3A_137 = vector.broadcast %get3A_130 : f32 to vector<200x512xf32>
    %mul3A_138 = arith.mulf %mul3A_137, %max3A_136 : vector<200x512xf32>
    %add3A_139 = arith.addf %add3A_126, %mul3A_138 : vector<200x512xf32>
    %get3A_140 = arith.constant 0 : index
    %get3A_141 = arith.constant 0 : index
    %get3A_142 = arith.constant 52 : index
    %get3A_143 = memref.load %arg2[%get3A_140, %get3A_141, %get3A_142] : memref<1x1x80xf32, #tpu.memory_space<smem>>
    %get3A_144 = arith.constant 0 : index
    %get3A_145 = arith.constant 0 : index
    %get3A_146 = arith.constant 28 : index
    %get3A_147 = memref.load %arg2[%get3A_144, %get3A_145, %get3A_146] : memref<1x1x80xf32, #tpu.memory_space<smem>>
    %max3A_148 = vector.broadcast %get3A_147 : f32 to vector<200x512xf32>
    %max3A_149 = arith.maximumf %add3A_76, %max3A_148 : vector<200x512xf32>
    %mul3A_150 = vector.broadcast %get3A_143 : f32 to vector<200x512xf32>
    %mul3A_151 = arith.mulf %mul3A_150, %max3A_149 : vector<200x512xf32>
    %add3A_152 = arith.addf %add3A_139, %mul3A_151 : vector<200x512xf32>
    %get3A_153 = arith.constant 0 : index
    %get3A_154 = arith.constant 0 : index
    %get3A_155 = arith.constant 53 : index
    %get3A_156 = memref.load %arg2[%get3A_153, %get3A_154, %get3A_155] : memref<1x1x80xf32, #tpu.memory_space<smem>>
    %get3A_157 = arith.constant 0 : index
    %get3A_158 = arith.constant 0 : index
    %get3A_159 = arith.constant 29 : index
    %get3A_160 = memref.load %arg2[%get3A_157, %get3A_158, %get3A_159] : memref<1x1x80xf32, #tpu.memory_space<smem>>
    %max3A_161 = vector.broadcast %get3A_160 : f32 to vector<200x512xf32>
    %max3A_162 = arith.maximumf %add3A_76, %max3A_161 : vector<200x512xf32>
    %mul3A_163 = vector.broadcast %get3A_156 : f32 to vector<200x512xf32>
    %mul3A_164 = arith.mulf %mul3A_163, %max3A_162 : vector<200x512xf32>
    %add3A_165 = arith.addf %add3A_152, %mul3A_164 : vector<200x512xf32>
    %get3A_166 = arith.constant 0 : index
    %get3A_167 = arith.constant 0 : index
    %get3A_168 = arith.constant 54 : index
    %get3A_169 = memref.load %arg2[%get3A_166, %get3A_167, %get3A_168] : memref<1x1x80xf32, #tpu.memory_space<smem>>
    %get3A_170 = arith.constant 0 : index
    %get3A_171 = arith.constant 0 : index
    %get3A_172 = arith.constant 30 : index
    %get3A_173 = memref.load %arg2[%get3A_170, %get3A_171, %get3A_172] : memref<1x1x80xf32, #tpu.memory_space<smem>>
    %max3A_174 = vector.broadcast %get3A_173 : f32 to vector<200x512xf32>
    %max3A_175 = arith.maximumf %add3A_76, %max3A_174 : vector<200x512xf32>
    %mul3A_176 = vector.broadcast %get3A_169 : f32 to vector<200x512xf32>
    %mul3A_177 = arith.mulf %mul3A_176, %max3A_175 : vector<200x512xf32>
    %add3A_178 = arith.addf %add3A_165, %mul3A_177 : vector<200x512xf32>
    %get3A_179 = arith.constant 0 : index
    %get3A_180 = arith.constant 0 : index
    %get3A_181 = arith.constant 55 : index
    %get3A_182 = memref.load %arg2[%get3A_179, %get3A_180, %get3A_181] : memref<1x1x80xf32, #tpu.memory_space<smem>>
    %get3A_183 = arith.constant 0 : index
    %get3A_184 = arith.constant 0 : index
    %get3A_185 = arith.constant 31 : index
    %get3A_186 = memref.load %arg2[%get3A_183, %get3A_184, %get3A_185] : memref<1x1x80xf32, #tpu.memory_space<smem>>
    %max3A_187 = vector.broadcast %get3A_186 : f32 to vector<200x512xf32>
    %max3A_188 = arith.maximumf %add3A_76, %max3A_187 : vector<200x512xf32>
    %mul3A_189 = vector.broadcast %get3A_182 : f32 to vector<200x512xf32>
    %mul3A_190 = arith.mulf %mul3A_189, %max3A_188 : vector<200x512xf32>
    %add3A_191 = arith.addf %add3A_178, %mul3A_190 : vector<200x512xf32>
    %get3A_192 = arith.constant 0 : index
    %get3A_193 = arith.constant 0 : index
    %get3A_194 = arith.constant 72 : index
    %get3A_195 = memref.load %arg2[%get3A_192, %get3A_193, %get3A_194] : memref<1x1x80xf32, #tpu.memory_space<smem>>
    %lt3A = vector.broadcast %get3A_195 : f32 to vector<200x512xf32>
    %lt3A_196 = arith.cmpf olt, %add3A_76, %lt3A : vector<200x512xf32>
    %get3A_197 = arith.constant 0 : index
    %get3A_198 = arith.constant 0 : index
    %get3A_199 = arith.constant 75 : index
    %get3A_200 = memref.load %arg2[%get3A_197, %get3A_198, %get3A_199] : memref<1x1x80xf32, #tpu.memory_space<smem>>
    %gt3A = vector.broadcast %get3A_200 : f32 to vector<200x512xf32>
    %gt3A_201 = arith.cmpf ogt, %add3A_76, %gt3A : vector<200x512xf32>
    %or3A = arith.ori %lt3A_196, %gt3A_201 : vector<200x512xi1>
    %jit3A = arith.constant 9.900000e+01 : f32
    %broadcast_in_dim3A = vector.broadcast %jit3A : f32 to vector<200x512xf32>
    %select_n3A = arith.select %or3A, %broadcast_in_dim3A, %add3A_191 : vector<200x512xi1>, vector<200x512xf32>
    %bitcast_convert_type3A_202 = tpu.bitcast %select_n3A : vector<200x512xf32> -> vector<200x512xi32>
    %shift_right_logical3A_203 = arith.constant 16 : i32
    %shift_right_logical3A_204 = vector.broadcast %shift_right_logical3A_203 : i32 to vector<200x512xi32>
    %shift_right_logical3A_205 = arith.shrui %bitcast_convert_type3A_202, %shift_right_logical3A_204 : vector<200x512xi32>
    %and3A_206 = arith.constant 1 : i32
    %and3A_207 = vector.broadcast %and3A_206 : i32 to vector<200x512xi32>
    %and3A_208 = arith.andi %shift_right_logical3A_205, %and3A_207 : vector<200x512xi32>
    %add3A_209 = arith.constant 32767 : i32
    %add3A_210 = vector.broadcast %add3A_209 : i32 to vector<200x512xi32>
    %add3A_211 = arith.addi %bitcast_convert_type3A_202, %add3A_210 : vector<200x512xi32>
    %add3A_212 = arith.addi %add3A_211, %and3A_208 : vector<200x512xi32>
    %and3A_213 = arith.constant -65536 : i32
    %and3A_214 = vector.broadcast %and3A_213 : i32 to vector<200x512xi32>
    %and3A_215 = arith.andi %add3A_212, %and3A_214 : vector<200x512xi32>
    %bitcast_convert_type3A_216 = tpu.bitcast %and3A_215 : vector<200x512xi32> -> vector<200x512xf32>
    %get3A_217 = arith.constant 0 : index
    %get3A_218 = arith.constant 0 : index
    %get3A_219 = arith.constant 1 : index
    %get3A_220 = memref.load %arg2[%get3A_217, %get3A_218, %get3A_219] : memref<1x1x80xf32, #tpu.memory_space<smem>>
    %mul3A_221 = vector.broadcast %get3A_220 : f32 to vector<200x512xf32>
    %mul3A_222 = arith.mulf %bitcast_convert_type3A_27, %mul3A_221 : vector<200x512xf32>
    %get3A_223 = arith.constant 0 : index
    %get3A_224 = arith.constant 0 : index
    %get3A_225 = arith.constant 4 : index
    %get3A_226 = memref.load %arg2[%get3A_223, %get3A_224, %get3A_225] : memref<1x1x80xf32, #tpu.memory_space<smem>>
    %mul3A_227 = vector.broadcast %get3A_226 : f32 to vector<200x512xf32>
    %mul3A_228 = arith.mulf %bitcast_convert_type3A_42, %mul3A_227 : vector<200x512xf32>
    %add3A_229 = arith.addf %mul3A_222, %mul3A_228 : vector<200x512xf32>
    %get3A_230 = arith.constant 0 : index
    %get3A_231 = arith.constant 0 : index
    %get3A_232 = arith.constant 7 : index
    %get3A_233 = memref.load %arg2[%get3A_230, %get3A_231, %get3A_232] : memref<1x1x80xf32, #tpu.memory_space<smem>>
    %mul3A_234 = vector.broadcast %get3A_233 : f32 to vector<200x512xf32>
    %mul3A_235 = arith.mulf %bitcast_convert_type3A_57, %mul3A_234 : vector<200x512xf32>
    %add3A_236 = arith.addf %add3A_229, %mul3A_235 : vector<200x512xf32>
    %get3A_237 = arith.constant 0 : index
    %get3A_238 = arith.constant 0 : index
    %get3A_239 = arith.constant 22 : index
    %get3A_240 = memref.load %arg2[%get3A_237, %get3A_238, %get3A_239] : memref<1x1x80xf32, #tpu.memory_space<smem>>
    %get3A_241 = arith.constant 0 : index
    %get3A_242 = arith.constant 0 : index
    %get3A_243 = arith.constant 19 : index
    %get3A_244 = memref.load %arg2[%get3A_241, %get3A_242, %get3A_243] : memref<1x1x80xf32, #tpu.memory_space<smem>>
    %mul3A_245 = vector.broadcast %get3A_244 : f32 to vector<200x512xf32>
    %mul3A_246 = arith.mulf %mul3A_245, %add3A_236 : vector<200x512xf32>
    %add3A_247 = vector.broadcast %get3A_240 : f32 to vector<200x512xf32>
    %add3A_248 = arith.addf %add3A_247, %mul3A_246 : vector<200x512xf32>
    %get3A_249 = arith.constant 0 : index
    %get3A_250 = arith.constant 0 : index
    %get3A_251 = arith.constant 56 : index
    %get3A_252 = memref.load %arg2[%get3A_249, %get3A_250, %get3A_251] : memref<1x1x80xf32, #tpu.memory_space<smem>>
    %get3A_253 = arith.constant 0 : index
    %get3A_254 = arith.constant 0 : index
    %get3A_255 = arith.constant 32 : index
    %get3A_256 = memref.load %arg2[%get3A_253, %get3A_254, %get3A_255] : memref<1x1x80xf32, #tpu.memory_space<smem>>
    %max3A_257 = vector.broadcast %get3A_256 : f32 to vector<200x512xf32>
    %max3A_258 = arith.maximumf %add3A_236, %max3A_257 : vector<200x512xf32>
    %mul3A_259 = vector.broadcast %get3A_252 : f32 to vector<200x512xf32>
    %mul3A_260 = arith.mulf %mul3A_259, %max3A_258 : vector<200x512xf32>
    %add3A_261 = arith.addf %add3A_248, %mul3A_260 : vector<200x512xf32>
    %get3A_262 = arith.constant 0 : index
    %get3A_263 = arith.constant 0 : index
    %get3A_264 = arith.constant 57 : index
    %get3A_265 = memref.load %arg2[%get3A_262, %get3A_263, %get3A_264] : memref<1x1x80xf32, #tpu.memory_space<smem>>
    %get3A_266 = arith.constant 0 : index
    %get3A_267 = arith.constant 0 : index
    %get3A_268 = arith.constant 33 : index
    %get3A_269 = memref.load %arg2[%get3A_266, %get3A_267, %get3A_268] : memref<1x1x80xf32, #tpu.memory_space<smem>>
    %max3A_270 = vector.broadcast %get3A_269 : f32 to vector<200x512xf32>
    %max3A_271 = arith.maximumf %add3A_236, %max3A_270 : vector<200x512xf32>
    %mul3A_272 = vector.broadcast %get3A_265 : f32 to vector<200x512xf32>
    %mul3A_273 = arith.mulf %mul3A_272, %max3A_271 : vector<200x512xf32>
    %add3A_274 = arith.addf %add3A_261, %mul3A_273 : vector<200x512xf32>
    %get3A_275 = arith.constant 0 : index
    %get3A_276 = arith.constant 0 : index
    %get3A_277 = arith.constant 58 : index
    %get3A_278 = memref.load %arg2[%get3A_275, %get3A_276, %get3A_277] : memref<1x1x80xf32, #tpu.memory_space<smem>>
    %get3A_279 = arith.constant 0 : index
    %get3A_280 = arith.constant 0 : index
    %get3A_281 = arith.constant 34 : index
    %get3A_282 = memref.load %arg2[%get3A_279, %get3A_280, %get3A_281] : memref<1x1x80xf32, #tpu.memory_space<smem>>
    %max3A_283 = vector.broadcast %get3A_282 : f32 to vector<200x512xf32>
    %max3A_284 = arith.maximumf %add3A_236, %max3A_283 : vector<200x512xf32>
    %mul3A_285 = vector.broadcast %get3A_278 : f32 to vector<200x512xf32>
    %mul3A_286 = arith.mulf %mul3A_285, %max3A_284 : vector<200x512xf32>
    %add3A_287 = arith.addf %add3A_274, %mul3A_286 : vector<200x512xf32>
    %get3A_288 = arith.constant 0 : index
    %get3A_289 = arith.constant 0 : index
    %get3A_290 = arith.constant 59 : index
    %get3A_291 = memref.load %arg2[%get3A_288, %get3A_289, %get3A_290] : memref<1x1x80xf32, #tpu.memory_space<smem>>
    %get3A_292 = arith.constant 0 : index
    %get3A_293 = arith.constant 0 : index
    %get3A_294 = arith.constant 35 : index
    %get3A_295 = memref.load %arg2[%get3A_292, %get3A_293, %get3A_294] : memref<1x1x80xf32, #tpu.memory_space<smem>>
    %max3A_296 = vector.broadcast %get3A_295 : f32 to vector<200x512xf32>
    %max3A_297 = arith.maximumf %add3A_236, %max3A_296 : vector<200x512xf32>
    %mul3A_298 = vector.broadcast %get3A_291 : f32 to vector<200x512xf32>
    %mul3A_299 = arith.mulf %mul3A_298, %max3A_297 : vector<200x512xf32>
    %add3A_300 = arith.addf %add3A_287, %mul3A_299 : vector<200x512xf32>
    %get3A_301 = arith.constant 0 : index
    %get3A_302 = arith.constant 0 : index
    %get3A_303 = arith.constant 60 : index
    %get3A_304 = memref.load %arg2[%get3A_301, %get3A_302, %get3A_303] : memref<1x1x80xf32, #tpu.memory_space<smem>>
    %get3A_305 = arith.constant 0 : index
    %get3A_306 = arith.constant 0 : index
    %get3A_307 = arith.constant 36 : index
    %get3A_308 = memref.load %arg2[%get3A_305, %get3A_306, %get3A_307] : memref<1x1x80xf32, #tpu.memory_space<smem>>
    %max3A_309 = vector.broadcast %get3A_308 : f32 to vector<200x512xf32>
    %max3A_310 = arith.maximumf %add3A_236, %max3A_309 : vector<200x512xf32>
    %mul3A_311 = vector.broadcast %get3A_304 : f32 to vector<200x512xf32>
    %mul3A_312 = arith.mulf %mul3A_311, %max3A_310 : vector<200x512xf32>
    %add3A_313 = arith.addf %add3A_300, %mul3A_312 : vector<200x512xf32>
    %get3A_314 = arith.constant 0 : index
    %get3A_315 = arith.constant 0 : index
    %get3A_316 = arith.constant 61 : index
    %get3A_317 = memref.load %arg2[%get3A_314, %get3A_315, %get3A_316] : memref<1x1x80xf32, #tpu.memory_space<smem>>
    %get3A_318 = arith.constant 0 : index
    %get3A_319 = arith.constant 0 : index
    %get3A_320 = arith.constant 37 : index
    %get3A_321 = memref.load %arg2[%get3A_318, %get3A_319, %get3A_320] : memref<1x1x80xf32, #tpu.memory_space<smem>>
    %max3A_322 = vector.broadcast %get3A_321 : f32 to vector<200x512xf32>
    %max3A_323 = arith.maximumf %add3A_236, %max3A_322 : vector<200x512xf32>
    %mul3A_324 = vector.broadcast %get3A_317 : f32 to vector<200x512xf32>
    %mul3A_325 = arith.mulf %mul3A_324, %max3A_323 : vector<200x512xf32>
    %add3A_326 = arith.addf %add3A_313, %mul3A_325 : vector<200x512xf32>
    %get3A_327 = arith.constant 0 : index
    %get3A_328 = arith.constant 0 : index
    %get3A_329 = arith.constant 62 : index
    %get3A_330 = memref.load %arg2[%get3A_327, %get3A_328, %get3A_329] : memref<1x1x80xf32, #tpu.memory_space<smem>>
    %get3A_331 = arith.constant 0 : index
    %get3A_332 = arith.constant 0 : index
    %get3A_333 = arith.constant 38 : index
    %get3A_334 = memref.load %arg2[%get3A_331, %get3A_332, %get3A_333] : memref<1x1x80xf32, #tpu.memory_space<smem>>
    %max3A_335 = vector.broadcast %get3A_334 : f32 to vector<200x512xf32>
    %max3A_336 = arith.maximumf %add3A_236, %max3A_335 : vector<200x512xf32>
    %mul3A_337 = vector.broadcast %get3A_330 : f32 to vector<200x512xf32>
    %mul3A_338 = arith.mulf %mul3A_337, %max3A_336 : vector<200x512xf32>
    %add3A_339 = arith.addf %add3A_326, %mul3A_338 : vector<200x512xf32>
    %get3A_340 = arith.constant 0 : index
    %get3A_341 = arith.constant 0 : index
    %get3A_342 = arith.constant 63 : index
    %get3A_343 = memref.load %arg2[%get3A_340, %get3A_341, %get3A_342] : memref<1x1x80xf32, #tpu.memory_space<smem>>
    %get3A_344 = arith.constant 0 : index
    %get3A_345 = arith.constant 0 : index
    %get3A_346 = arith.constant 39 : index
    %get3A_347 = memref.load %arg2[%get3A_344, %get3A_345, %get3A_346] : memref<1x1x80xf32, #tpu.memory_space<smem>>
    %max3A_348 = vector.broadcast %get3A_347 : f32 to vector<200x512xf32>
    %max3A_349 = arith.maximumf %add3A_236, %max3A_348 : vector<200x512xf32>
    %mul3A_350 = vector.broadcast %get3A_343 : f32 to vector<200x512xf32>
    %mul3A_351 = arith.mulf %mul3A_350, %max3A_349 : vector<200x512xf32>
    %add3A_352 = arith.addf %add3A_339, %mul3A_351 : vector<200x512xf32>
    %get3A_353 = arith.constant 0 : index
    %get3A_354 = arith.constant 0 : index
    %get3A_355 = arith.constant 73 : index
    %get3A_356 = memref.load %arg2[%get3A_353, %get3A_354, %get3A_355] : memref<1x1x80xf32, #tpu.memory_space<smem>>
    %lt3A_357 = vector.broadcast %get3A_356 : f32 to vector<200x512xf32>
    %lt3A_358 = arith.cmpf olt, %add3A_236, %lt3A_357 : vector<200x512xf32>
    %get3A_359 = arith.constant 0 : index
    %get3A_360 = arith.constant 0 : index
    %get3A_361 = arith.constant 76 : index
    %get3A_362 = memref.load %arg2[%get3A_359, %get3A_360, %get3A_361] : memref<1x1x80xf32, #tpu.memory_space<smem>>
    %gt3A_363 = vector.broadcast %get3A_362 : f32 to vector<200x512xf32>
    %gt3A_364 = arith.cmpf ogt, %add3A_236, %gt3A_363 : vector<200x512xf32>
    %or3A_365 = arith.ori %lt3A_358, %gt3A_364 : vector<200x512xi1>
    %jit3A_366 = arith.constant 9.900000e+01 : f32
    %broadcast_in_dim3A_367 = vector.broadcast %jit3A_366 : f32 to vector<200x512xf32>
    %select_n3A_368 = arith.select %or3A_365, %broadcast_in_dim3A_367, %add3A_352 : vector<200x512xi1>, vector<200x512xf32>
    %bitcast_convert_type3A_369 = tpu.bitcast %select_n3A_368 : vector<200x512xf32> -> vector<200x512xi32>
    %shift_right_logical3A_370 = arith.constant 16 : i32
    %shift_right_logical3A_371 = vector.broadcast %shift_right_logical3A_370 : i32 to vector<200x512xi32>
    %shift_right_logical3A_372 = arith.shrui %bitcast_convert_type3A_369, %shift_right_logical3A_371 : vector<200x512xi32>
    %and3A_373 = arith.constant 1 : i32
    %and3A_374 = vector.broadcast %and3A_373 : i32 to vector<200x512xi32>
    %and3A_375 = arith.andi %shift_right_logical3A_372, %and3A_374 : vector<200x512xi32>
    %add3A_376 = arith.constant 32767 : i32
    %add3A_377 = vector.broadcast %add3A_376 : i32 to vector<200x512xi32>
    %add3A_378 = arith.addi %bitcast_convert_type3A_369, %add3A_377 : vector<200x512xi32>
    %add3A_379 = arith.addi %add3A_378, %and3A_375 : vector<200x512xi32>
    %and3A_380 = arith.constant -65536 : i32
    %and3A_381 = vector.broadcast %and3A_380 : i32 to vector<200x512xi32>
    %and3A_382 = arith.andi %add3A_379, %and3A_381 : vector<200x512xi32>
    %bitcast_convert_type3A_383 = tpu.bitcast %and3A_382 : vector<200x512xi32> -> vector<200x512xf32>
    %get3A_384 = arith.constant 0 : index
    %get3A_385 = arith.constant 0 : index
    %get3A_386 = arith.constant 2 : index
    %get3A_387 = memref.load %arg2[%get3A_384, %get3A_385, %get3A_386] : memref<1x1x80xf32, #tpu.memory_space<smem>>
    %mul3A_388 = vector.broadcast %get3A_387 : f32 to vector<200x512xf32>
    %mul3A_389 = arith.mulf %bitcast_convert_type3A_27, %mul3A_388 : vector<200x512xf32>
    %get3A_390 = arith.constant 0 : index
    %get3A_391 = arith.constant 0 : index
    %get3A_392 = arith.constant 5 : index
    %get3A_393 = memref.load %arg2[%get3A_390, %get3A_391, %get3A_392] : memref<1x1x80xf32, #tpu.memory_space<smem>>
    %mul3A_394 = vector.broadcast %get3A_393 : f32 to vector<200x512xf32>
    %mul3A_395 = arith.mulf %bitcast_convert_type3A_42, %mul3A_394 : vector<200x512xf32>
    %add3A_396 = arith.addf %mul3A_389, %mul3A_395 : vector<200x512xf32>
    %get3A_397 = arith.constant 0 : index
    %get3A_398 = arith.constant 0 : index
    %get3A_399 = arith.constant 8 : index
    %get3A_400 = memref.load %arg2[%get3A_397, %get3A_398, %get3A_399] : memref<1x1x80xf32, #tpu.memory_space<smem>>
    %mul3A_401 = vector.broadcast %get3A_400 : f32 to vector<200x512xf32>
    %mul3A_402 = arith.mulf %bitcast_convert_type3A_57, %mul3A_401 : vector<200x512xf32>
    %add3A_403 = arith.addf %add3A_396, %mul3A_402 : vector<200x512xf32>
    %get3A_404 = arith.constant 0 : index
    %get3A_405 = arith.constant 0 : index
    %get3A_406 = arith.constant 23 : index
    %get3A_407 = memref.load %arg2[%get3A_404, %get3A_405, %get3A_406] : memref<1x1x80xf32, #tpu.memory_space<smem>>
    %get3A_408 = arith.constant 0 : index
    %get3A_409 = arith.constant 0 : index
    %get3A_410 = arith.constant 20 : index
    %get3A_411 = memref.load %arg2[%get3A_408, %get3A_409, %get3A_410] : memref<1x1x80xf32, #tpu.memory_space<smem>>
    %mul3A_412 = vector.broadcast %get3A_411 : f32 to vector<200x512xf32>
    %mul3A_413 = arith.mulf %mul3A_412, %add3A_403 : vector<200x512xf32>
    %add3A_414 = vector.broadcast %get3A_407 : f32 to vector<200x512xf32>
    %add3A_415 = arith.addf %add3A_414, %mul3A_413 : vector<200x512xf32>
    %get3A_416 = arith.constant 0 : index
    %get3A_417 = arith.constant 0 : index
    %get3A_418 = arith.constant 64 : index
    %get3A_419 = memref.load %arg2[%get3A_416, %get3A_417, %get3A_418] : memref<1x1x80xf32, #tpu.memory_space<smem>>
    %get3A_420 = arith.constant 0 : index
    %get3A_421 = arith.constant 0 : index
    %get3A_422 = arith.constant 40 : index
    %get3A_423 = memref.load %arg2[%get3A_420, %get3A_421, %get3A_422] : memref<1x1x80xf32, #tpu.memory_space<smem>>
    %max3A_424 = vector.broadcast %get3A_423 : f32 to vector<200x512xf32>
    %max3A_425 = arith.maximumf %add3A_403, %max3A_424 : vector<200x512xf32>
    %mul3A_426 = vector.broadcast %get3A_419 : f32 to vector<200x512xf32>
    %mul3A_427 = arith.mulf %mul3A_426, %max3A_425 : vector<200x512xf32>
    %add3A_428 = arith.addf %add3A_415, %mul3A_427 : vector<200x512xf32>
    %get3A_429 = arith.constant 0 : index
    %get3A_430 = arith.constant 0 : index
    %get3A_431 = arith.constant 65 : index
    %get3A_432 = memref.load %arg2[%get3A_429, %get3A_430, %get3A_431] : memref<1x1x80xf32, #tpu.memory_space<smem>>
    %get3A_433 = arith.constant 0 : index
    %get3A_434 = arith.constant 0 : index
    %get3A_435 = arith.constant 41 : index
    %get3A_436 = memref.load %arg2[%get3A_433, %get3A_434, %get3A_435] : memref<1x1x80xf32, #tpu.memory_space<smem>>
    %max3A_437 = vector.broadcast %get3A_436 : f32 to vector<200x512xf32>
    %max3A_438 = arith.maximumf %add3A_403, %max3A_437 : vector<200x512xf32>
    %mul3A_439 = vector.broadcast %get3A_432 : f32 to vector<200x512xf32>
    %mul3A_440 = arith.mulf %mul3A_439, %max3A_438 : vector<200x512xf32>
    %add3A_441 = arith.addf %add3A_428, %mul3A_440 : vector<200x512xf32>
    %get3A_442 = arith.constant 0 : index
    %get3A_443 = arith.constant 0 : index
    %get3A_444 = arith.constant 66 : index
    %get3A_445 = memref.load %arg2[%get3A_442, %get3A_443, %get3A_444] : memref<1x1x80xf32, #tpu.memory_space<smem>>
    %get3A_446 = arith.constant 0 : index
    %get3A_447 = arith.constant 0 : index
    %get3A_448 = arith.constant 42 : index
    %get3A_449 = memref.load %arg2[%get3A_446, %get3A_447, %get3A_448] : memref<1x1x80xf32, #tpu.memory_space<smem>>
    %max3A_450 = vector.broadcast %get3A_449 : f32 to vector<200x512xf32>
    %max3A_451 = arith.maximumf %add3A_403, %max3A_450 : vector<200x512xf32>
    %mul3A_452 = vector.broadcast %get3A_445 : f32 to vector<200x512xf32>
    %mul3A_453 = arith.mulf %mul3A_452, %max3A_451 : vector<200x512xf32>
    %add3A_454 = arith.addf %add3A_441, %mul3A_453 : vector<200x512xf32>
    %get3A_455 = arith.constant 0 : index
    %get3A_456 = arith.constant 0 : index
    %get3A_457 = arith.constant 67 : index
    %get3A_458 = memref.load %arg2[%get3A_455, %get3A_456, %get3A_457] : memref<1x1x80xf32, #tpu.memory_space<smem>>
    %get3A_459 = arith.constant 0 : index
    %get3A_460 = arith.constant 0 : index
    %get3A_461 = arith.constant 43 : index
    %get3A_462 = memref.load %arg2[%get3A_459, %get3A_460, %get3A_461] : memref<1x1x80xf32, #tpu.memory_space<smem>>
    %max3A_463 = vector.broadcast %get3A_462 : f32 to vector<200x512xf32>
    %max3A_464 = arith.maximumf %add3A_403, %max3A_463 : vector<200x512xf32>
    %mul3A_465 = vector.broadcast %get3A_458 : f32 to vector<200x512xf32>
    %mul3A_466 = arith.mulf %mul3A_465, %max3A_464 : vector<200x512xf32>
    %add3A_467 = arith.addf %add3A_454, %mul3A_466 : vector<200x512xf32>
    %get3A_468 = arith.constant 0 : index
    %get3A_469 = arith.constant 0 : index
    %get3A_470 = arith.constant 68 : index
    %get3A_471 = memref.load %arg2[%get3A_468, %get3A_469, %get3A_470] : memref<1x1x80xf32, #tpu.memory_space<smem>>
    %get3A_472 = arith.constant 0 : index
    %get3A_473 = arith.constant 0 : index
    %get3A_474 = arith.constant 44 : index
    %get3A_475 = memref.load %arg2[%get3A_472, %get3A_473, %get3A_474] : memref<1x1x80xf32, #tpu.memory_space<smem>>
    %max3A_476 = vector.broadcast %get3A_475 : f32 to vector<200x512xf32>
    %max3A_477 = arith.maximumf %add3A_403, %max3A_476 : vector<200x512xf32>
    %mul3A_478 = vector.broadcast %get3A_471 : f32 to vector<200x512xf32>
    %mul3A_479 = arith.mulf %mul3A_478, %max3A_477 : vector<200x512xf32>
    %add3A_480 = arith.addf %add3A_467, %mul3A_479 : vector<200x512xf32>
    %get3A_481 = arith.constant 0 : index
    %get3A_482 = arith.constant 0 : index
    %get3A_483 = arith.constant 69 : index
    %get3A_484 = memref.load %arg2[%get3A_481, %get3A_482, %get3A_483] : memref<1x1x80xf32, #tpu.memory_space<smem>>
    %get3A_485 = arith.constant 0 : index
    %get3A_486 = arith.constant 0 : index
    %get3A_487 = arith.constant 45 : index
    %get3A_488 = memref.load %arg2[%get3A_485, %get3A_486, %get3A_487] : memref<1x1x80xf32, #tpu.memory_space<smem>>
    %max3A_489 = vector.broadcast %get3A_488 : f32 to vector<200x512xf32>
    %max3A_490 = arith.maximumf %add3A_403, %max3A_489 : vector<200x512xf32>
    %mul3A_491 = vector.broadcast %get3A_484 : f32 to vector<200x512xf32>
    %mul3A_492 = arith.mulf %mul3A_491, %max3A_490 : vector<200x512xf32>
    %add3A_493 = arith.addf %add3A_480, %mul3A_492 : vector<200x512xf32>
    %get3A_494 = arith.constant 0 : index
    %get3A_495 = arith.constant 0 : index
    %get3A_496 = arith.constant 70 : index
    %get3A_497 = memref.load %arg2[%get3A_494, %get3A_495, %get3A_496] : memref<1x1x80xf32, #tpu.memory_space<smem>>
    %get3A_498 = arith.constant 0 : index
    %get3A_499 = arith.constant 0 : index
    %get3A_500 = arith.constant 46 : index
    %get3A_501 = memref.load %arg2[%get3A_498, %get3A_499, %get3A_500] : memref<1x1x80xf32, #tpu.memory_space<smem>>
    %max3A_502 = vector.broadcast %get3A_501 : f32 to vector<200x512xf32>
    %max3A_503 = arith.maximumf %add3A_403, %max3A_502 : vector<200x512xf32>
    %mul3A_504 = vector.broadcast %get3A_497 : f32 to vector<200x512xf32>
    %mul3A_505 = arith.mulf %mul3A_504, %max3A_503 : vector<200x512xf32>
    %add3A_506 = arith.addf %add3A_493, %mul3A_505 : vector<200x512xf32>
    %get3A_507 = arith.constant 0 : index
    %get3A_508 = arith.constant 0 : index
    %get3A_509 = arith.constant 71 : index
    %get3A_510 = memref.load %arg2[%get3A_507, %get3A_508, %get3A_509] : memref<1x1x80xf32, #tpu.memory_space<smem>>
    %get3A_511 = arith.constant 0 : index
    %get3A_512 = arith.constant 0 : index
    %get3A_513 = arith.constant 47 : index
    %get3A_514 = memref.load %arg2[%get3A_511, %get3A_512, %get3A_513] : memref<1x1x80xf32, #tpu.memory_space<smem>>
    %max3A_515 = vector.broadcast %get3A_514 : f32 to vector<200x512xf32>
    %max3A_516 = arith.maximumf %add3A_403, %max3A_515 : vector<200x512xf32>
    %mul3A_517 = vector.broadcast %get3A_510 : f32 to vector<200x512xf32>
    %mul3A_518 = arith.mulf %mul3A_517, %max3A_516 : vector<200x512xf32>
    %add3A_519 = arith.addf %add3A_506, %mul3A_518 : vector<200x512xf32>
    %get3A_520 = arith.constant 0 : index
    %get3A_521 = arith.constant 0 : index
    %get3A_522 = arith.constant 74 : index
    %get3A_523 = memref.load %arg2[%get3A_520, %get3A_521, %get3A_522] : memref<1x1x80xf32, #tpu.memory_space<smem>>
    %lt3A_524 = vector.broadcast %get3A_523 : f32 to vector<200x512xf32>
    %lt3A_525 = arith.cmpf olt, %add3A_403, %lt3A_524 : vector<200x512xf32>
    %get3A_526 = arith.constant 0 : index
    %get3A_527 = arith.constant 0 : index
    %get3A_528 = arith.constant 77 : index
    %get3A_529 = memref.load %arg2[%get3A_526, %get3A_527, %get3A_528] : memref<1x1x80xf32, #tpu.memory_space<smem>>
    %gt3A_530 = vector.broadcast %get3A_529 : f32 to vector<200x512xf32>
    %gt3A_531 = arith.cmpf ogt, %add3A_403, %gt3A_530 : vector<200x512xf32>
    %or3A_532 = arith.ori %lt3A_525, %gt3A_531 : vector<200x512xi1>
    %jit3A_533 = arith.constant 9.900000e+01 : f32
    %broadcast_in_dim3A_534 = vector.broadcast %jit3A_533 : f32 to vector<200x512xf32>
    %select_n3A_535 = arith.select %or3A_532, %broadcast_in_dim3A_534, %add3A_519 : vector<200x512xi1>, vector<200x512xf32>
    %bitcast_convert_type3A_536 = tpu.bitcast %select_n3A_535 : vector<200x512xf32> -> vector<200x512xi32>
    %shift_right_logical3A_537 = arith.constant 16 : i32
    %shift_right_logical3A_538 = vector.broadcast %shift_right_logical3A_537 : i32 to vector<200x512xi32>
    %shift_right_logical3A_539 = arith.shrui %bitcast_convert_type3A_536, %shift_right_logical3A_538 : vector<200x512xi32>
    %and3A_540 = arith.constant 1 : i32
    %and3A_541 = vector.broadcast %and3A_540 : i32 to vector<200x512xi32>
    %and3A_542 = arith.andi %shift_right_logical3A_539, %and3A_541 : vector<200x512xi32>
    %add3A_543 = arith.constant 32767 : i32
    %add3A_544 = vector.broadcast %add3A_543 : i32 to vector<200x512xi32>
    %add3A_545 = arith.addi %bitcast_convert_type3A_536, %add3A_544 : vector<200x512xi32>
    %add3A_546 = arith.addi %add3A_545, %and3A_542 : vector<200x512xi32>
    %and3A_547 = arith.constant -65536 : i32
    %and3A_548 = vector.broadcast %and3A_547 : i32 to vector<200x512xi32>
    %and3A_549 = arith.andi %add3A_546, %and3A_548 : vector<200x512xi32>
    %bitcast_convert_type3A_550 = tpu.bitcast %and3A_549 : vector<200x512xi32> -> vector<200x512xf32>
    %get3A_551 = arith.constant 0 : index
    %get3A_552 = arith.constant 0 : index
    %get3A_553 = arith.constant 9 : index
    %get3A_554 = memref.load %arg2[%get3A_551, %get3A_552, %get3A_553] : memref<1x1x80xf32, #tpu.memory_space<smem>>
    %mul3A_555 = vector.broadcast %get3A_554 : f32 to vector<200x512xf32>
    %mul3A_556 = arith.mulf %bitcast_convert_type3A_216, %mul3A_555 : vector<200x512xf32>
    %get3A_557 = arith.constant 0 : index
    %get3A_558 = arith.constant 0 : index
    %get3A_559 = arith.constant 12 : index
    %get3A_560 = memref.load %arg2[%get3A_557, %get3A_558, %get3A_559] : memref<1x1x80xf32, #tpu.memory_space<smem>>
    %mul3A_561 = vector.broadcast %get3A_560 : f32 to vector<200x512xf32>
    %mul3A_562 = arith.mulf %bitcast_convert_type3A_383, %mul3A_561 : vector<200x512xf32>
    %add3A_563 = arith.addf %mul3A_556, %mul3A_562 : vector<200x512xf32>
    %get3A_564 = arith.constant 0 : index
    %get3A_565 = arith.constant 0 : index
    %get3A_566 = arith.constant 15 : index
    %get3A_567 = memref.load %arg2[%get3A_564, %get3A_565, %get3A_566] : memref<1x1x80xf32, #tpu.memory_space<smem>>
    %mul3A_568 = vector.broadcast %get3A_567 : f32 to vector<200x512xf32>
    %mul3A_569 = arith.mulf %bitcast_convert_type3A_550, %mul3A_568 : vector<200x512xf32>
    %add3A_570 = arith.addf %add3A_563, %mul3A_569 : vector<200x512xf32>
    %get3A_571 = arith.constant 0 : index
    %get3A_572 = arith.constant 0 : index
    %get3A_573 = arith.constant 10 : index
    %get3A_574 = memref.load %arg2[%get3A_571, %get3A_572, %get3A_573] : memref<1x1x80xf32, #tpu.memory_space<smem>>
    %mul3A_575 = vector.broadcast %get3A_574 : f32 to vector<200x512xf32>
    %mul3A_576 = arith.mulf %bitcast_convert_type3A_216, %mul3A_575 : vector<200x512xf32>
    %get3A_577 = arith.constant 0 : index
    %get3A_578 = arith.constant 0 : index
    %get3A_579 = arith.constant 13 : index
    %get3A_580 = memref.load %arg2[%get3A_577, %get3A_578, %get3A_579] : memref<1x1x80xf32, #tpu.memory_space<smem>>
    %mul3A_581 = vector.broadcast %get3A_580 : f32 to vector<200x512xf32>
    %mul3A_582 = arith.mulf %bitcast_convert_type3A_383, %mul3A_581 : vector<200x512xf32>
    %add3A_583 = arith.addf %mul3A_576, %mul3A_582 : vector<200x512xf32>
    %get3A_584 = arith.constant 0 : index
    %get3A_585 = arith.constant 0 : index
    %get3A_586 = arith.constant 16 : index
    %get3A_587 = memref.load %arg2[%get3A_584, %get3A_585, %get3A_586] : memref<1x1x80xf32, #tpu.memory_space<smem>>
    %mul3A_588 = vector.broadcast %get3A_587 : f32 to vector<200x512xf32>
    %mul3A_589 = arith.mulf %bitcast_convert_type3A_550, %mul3A_588 : vector<200x512xf32>
    %add3A_590 = arith.addf %add3A_583, %mul3A_589 : vector<200x512xf32>
    %get3A_591 = arith.constant 0 : index
    %get3A_592 = arith.constant 0 : index
    %get3A_593 = arith.constant 11 : index
    %get3A_594 = memref.load %arg2[%get3A_591, %get3A_592, %get3A_593] : memref<1x1x80xf32, #tpu.memory_space<smem>>
    %mul3A_595 = vector.broadcast %get3A_594 : f32 to vector<200x512xf32>
    %mul3A_596 = arith.mulf %bitcast_convert_type3A_216, %mul3A_595 : vector<200x512xf32>
    %get3A_597 = arith.constant 0 : index
    %get3A_598 = arith.constant 0 : index
    %get3A_599 = arith.constant 14 : index
    %get3A_600 = memref.load %arg2[%get3A_597, %get3A_598, %get3A_599] : memref<1x1x80xf32, #tpu.memory_space<smem>>
    %mul3A_601 = vector.broadcast %get3A_600 : f32 to vector<200x512xf32>
    %mul3A_602 = arith.mulf %bitcast_convert_type3A_383, %mul3A_601 : vector<200x512xf32>
    %add3A_603 = arith.addf %mul3A_596, %mul3A_602 : vector<200x512xf32>
    %get3A_604 = arith.constant 0 : index
    %get3A_605 = arith.constant 0 : index
    %get3A_606 = arith.constant 17 : index
    %get3A_607 = memref.load %arg2[%get3A_604, %get3A_605, %get3A_606] : memref<1x1x80xf32, #tpu.memory_space<smem>>
    %mul3A_608 = vector.broadcast %get3A_607 : f32 to vector<200x512xf32>
    %mul3A_609 = arith.mulf %bitcast_convert_type3A_550, %mul3A_608 : vector<200x512xf32>
    %add3A_610 = arith.addf %add3A_603, %mul3A_609 : vector<200x512xf32>
    %swap3A = arith.constant 0 : index
    %swap3A_611 = arith.constant 0 : index
    %swap3A_612 = arith.constant 0 : index
    %swap3A_613 = arith.constant 0 : index
    %swap3A_614 = vector.load %arg4[%swap3A, %swap3A_611, %swap3A_612, %swap3A_613] : memref<1x3x200x512xf32, #tpu.memory_space<vmem>>, vector<1x1x200x512xf32>
    %swap3A_615 = vector.shape_cast %swap3A_614 : vector<1x1x200x512xf32> to vector<200x512xf32>
    %swap3A_616 = vector.shape_cast %add3A_570 : vector<200x512xf32> to vector<1x1x200x512xf32>
    tpu.vector_store %arg4[%swap3A, %swap3A_611, %swap3A_612, %swap3A_613], %swap3A_616 {strides = array<i32>} : memref<1x3x200x512xf32, #tpu.memory_space<vmem>>, vector<1x1x200x512xf32>,
    %swap3A_617 = arith.constant 0 : index
    %swap3A_618 = arith.constant 1 : index
    %swap3A_619 = arith.constant 0 : index
    %swap3A_620 = arith.constant 0 : index
    %swap3A_621 = vector.load %arg4[%swap3A_617, %swap3A_618, %swap3A_619, %swap3A_620] : memref<1x3x200x512xf32, #tpu.memory_space<vmem>>, vector<1x1x200x512xf32>
    %swap3A_622 = vector.shape_cast %swap3A_621 : vector<1x1x200x512xf32> to vector<200x512xf32>
    %swap3A_623 = vector.shape_cast %add3A_590 : vector<200x512xf32> to vector<1x1x200x512xf32>
    tpu.vector_store %arg4[%swap3A_617, %swap3A_618, %swap3A_619, %swap3A_620], %swap3A_623 {strides = array<i32>} : memref<1x3x200x512xf32, #tpu.memory_space<vmem>>, vector<1x1x200x512xf32>,
    %swap3A_624 = arith.constant 0 : index
    %swap3A_625 = arith.constant 2 : index
    %swap3A_626 = arith.constant 0 : index
    %swap3A_627 = arith.constant 0 : index
    %swap3A_628 = vector.load %arg4[%swap3A_624, %swap3A_625, %swap3A_626, %swap3A_627] : memref<1x3x200x512xf32, #tpu.memory_space<vmem>>, vector<1x1x200x512xf32>
    %swap3A_629 = vector.shape_cast %swap3A_628 : vector<1x1x200x512xf32> to vector<200x512xf32>
    %swap3A_630 = vector.shape_cast %add3A_610 : vector<200x512xf32> to vector<1x1x200x512xf32>
    tpu.vector_store %arg4[%swap3A_624, %swap3A_625, %swap3A_626, %swap3A_627], %swap3A_630 {strides = array<i32>} : memref<1x3x200x512xf32, #tpu.memory_space<vmem>>, vector<1x1x200x512xf32>,
    return
  }
  func.func @transform_0(%arg0: i32, %arg1: i32) -> (i32, i32, i32) {
    %c0_i32 = arith.constant 0 : i32
    %c0_i32_0 = arith.constant 0 : i32
    %c0_i32_1 = arith.constant 0 : i32
    return %arg0, %c0_i32, %c0_i32_0 : i32, i32, i32
  }
  func.func @transform_1(%arg0: i32, %arg1: i32) -> (i32, i32, i32, i32) {
    %c0_i32 = arith.constant 0 : i32
    %c0_i32_0 = arith.constant 0 : i32
    %c0_i32_1 = arith.constant 0 : i32
    return %arg0, %c0_i32, %arg1, %c0_i32_0 : i32, i32, i32, i32
  }
  func.func @transform_2(%arg0: i32, %arg1: i32) -> (i32, i32, i32, i32) {
    %c0_i32 = arith.constant 0 : i32
    %c0_i32_0 = arith.constant 0 : i32
    %c0_i32_1 = arith.constant 0 : i32
    return %arg0, %c0_i32, %arg1, %c0_i32_0 : i32, i32, i32, i32
  }
}

</mosaic_0001>

<sc_bundles>
// kernel: kernel.4.cloned.1.call-start
scs
__scs_entry_jumppad:
0x0: {  	(pc) =	sbr.rel $0x88, $3  }
0x1: {  	(tag) =	ssettag $0x0;
	lr =	simm.s32 $0x1  }
0x2: {  	[smem:$0x3F9E] =	sst lr;
	_ =	strace $0xD0000000  }
0x3: {  	_ = 	snop  }
0x4: {  	_ = 	snop  }
0x5: {  	_ = 	snop  }
0x6: {  	_ = 	snop  }
0x7: {  	_ = 	snop  }
__scs_overlays_trampoline_lowered:
0x8: {  	[smem:$0x3FAD] =	sst s0  }
0x9: {  	[smem:$0x3FAE] =	sst s1  }
0xa: {  	[smem:$0x3FAF] =	sst s2  }
0xb: {  	[smem:$0x3FB0] =	sst s3  }
0xc: {  	[smem:$0x3FB1] =	sst s4  }
0xd: {  	[smem:$0x3FB2] =	sst s5  }
0xe: {  	[smem:$0x3FB3] =	sst s6  }
0xf: {  	[smem:$0x3FB4] =	sst s7  }
0x10: {  	[smem:$0x3FB5] =	sst s8  }
0x11: {  	[smem:$0x3FB6] =	sst s9;
	s0 =	simm.s32 @!p0 $0x0  }
0x12: {  	s1 =	sld [smem:$0x3F9C];
	s0 =	simm.s32 @p0 $0x1  }
0x13: {  	[smem:$0x3FB7] =	sst s0;
	s0 =	simm.s32 @!p1 $0x0  }
0x14: {  	s2 =	sld [smem:$0x3F9B];
	s0 =	simm.s32 @p1 $0x1  }
0x15: {  	[smem:$0x3FB8] =	sst s0;
	s0 =	simm.s32 @!p2 $0x0  }
0x16: {  	s3 =	sld [smem:$0x3FDB];
	s0 =	simm.s32 @p2 $0x1  }
0x17: {  	s4 =	simm.s32 $0x1BF5;
	[smem:$0x3FBA] =	sst s0  }
0x18: {  	s0 =	sld [smem:$0x3F9D];
	_ =	swait.ge [sflag:s4], $0x0  }
0x19: {  	s7 =	sld [smem:$0x3F9E]  }
0x1a: {  	s8 =	sadd.s32 $0xFFFFE003, lr  }
0x1b: {  	s9 =	sadd.s32 $0xFFFFFEF7, lr;
	s5 =	simm.s32 $0xFFFFFFFF;
	p2 =	slt.u32 s8, $0xFFFFF086  }
0x1c: {  	p1 =	slt.u32 s9, $0xF7A;
	s5 =	simm.s32 @!p2 $0x0  }
0x1d: {  	s5 =	simm.s32 @p1 $0x1;
	p0 =	seq.s32 s7, s2  }
0x1e: {  	s7 =	smul.u32 @!p0 $0xF7A, s2;
	p2 =	seq.s32 @!p0 s5, $0x0  }
0x1f: {  	s9 =	smul.u32 $0xF7A, s1;
	s8 =	simm.s32 @!p0 $0x1BF5;
	p2 =	por !p2, p0  }
0x20: {  	[sflag:s8] =	ssyncset.s32 @!p0 $0xFFFFF086;
	s6 =	sadd.s32 @!p0 s3, s7;
	s7 =	simm.s32 @!p0 $0x108  }
0x21: {  	s3 =	sadd.s32 s3, s9;
	s6 =	sadd.s32 @!p0 $0x88, s6;
	s7 =	simm.s32 @p2 $0x1082  }
0x22: {  	[simem:s7], [sflag:s8] =	dma.local @!p0 [hbm:s6], $0xF7A  }
0x23: {  	s9 =	sor.u32 $0xD0000000, s2;
	s6 =	simm.s32 $0x108;
	_ =	swait.ge @!p0 [sflag:s8], $0x0  }
0x24: {  	s3 =	sadd.s32 $0x88, s3;
	s6 =	simm.s32 @!p1 $0x1082;
	[sflag:s4] =	ssyncset.s32 $0xFFFFF086  }
0x25: {  	[simem:s6], [sflag:s4] =	dma.local [hbm:s3], $0xF7A  }
0x26: {  	[smem:$0x3F9E] =	sst s1;
	(tag) =	ssettag s2;
	_ =	strace s9  }
0x27: {  	s1 =	sld [smem:$0x3FAE]  }
0x28: {  	s2 =	sld [smem:$0x3FAF]  }
0x29: {  	s4 =	sld [smem:$0x3FB1]  }
0x2a: {  	p0 =	seq.s32 s5, $0x0;
	s5 =	sld [smem:$0x3FB2]  }
0x2b: {  	s6 =	sld [smem:$0x3FB3]  }
0x2c: {  	s7 =	sld [smem:$0x3FB4]  }
0x2d: {  	s3 =	simm.s32 $0x108;
	s8 =	sld [smem:$0x3FB5]  }
0x2e: {  	s3 =	simm.s32 @!p0 $0x1082;
	s9 =	sld [smem:$0x3FB6]  }
0x2f: {  	lr =	sadd.s32 s0, s3;
	s0 =	sld [smem:$0x3FAD]  }
0x30: {  	s3 =	sld [smem:$0x3FB0]  }
0x31: {  	[smem:$0x3FB9] =	sst s10  }
0x32: {  	s10 =	sld [smem:$0x3FB7];
	_ =	sdelay $0x3  }
0x33: {  	p0 =	seq.s32 s10, $0x1;
	s10 =	sld [smem:$0x3FB9];
	_ =	sdelay $0x3  }
0x34: {  	[smem:$0x3FB9] =	sst s10  }
0x35: {  	s10 =	sld [smem:$0x3FB8];
	_ =	sdelay $0x3  }
0x36: {  	p1 =	seq.s32 s10, $0x1;
	s10 =	sld [smem:$0x3FB9];
	_ =	sdelay $0x3  }
0x37: {  	[smem:$0x3FB9] =	sst s10  }
0x38: {  	s10 =	sld [smem:$0x3FBA]  }
0x39: {  	_ = 	snop;
	(pc) =	sbr.ind lr, $3  }
0x3a: {  	_ = 	snop  }
0x3b: {  	_ = 	snop  }
0x3c: {  	p2 =	seq.s32 s10, $0x1;
	s10 =	sld [smem:$0x3FB9]  }
0x3d: {  	_ =	shalt  }
0x3e: {  	_ =	shalt  }
0x3f: {  	_ =	shalt  }
0x40: {  	_ =	shalt  }
0x41: {  	_ =	shalt  }
0x42: {  	_ =	shalt  }
0x43: {  	_ =	shalt  }
0x44: {  	_ =	shalt  }
0x45: {  	_ =	shalt  }
0x46: {  	_ =	shalt  }
0x47: {  	_ =	shalt  }
0x48: {  	_ =	shalt  }
0x49: {  	_ =	shalt  }
0x4a: {  	_ =	shalt  }
0x4b: {  	_ =	shalt  }
0x4c: {  	_ =	shalt  }
0x4d: {  	_ =	shalt  }
0x4e: {  	_ =	shalt  }
0x4f: {  	_ =	shalt  }
0x50: {  	_ =	shalt  }
0x51: {  	_ =	shalt  }
0x52: {  	_ =	shalt  }
0x53: {  	_ =	shalt  }
0x54: {  	_ =	shalt  }
0x55: {  	_ =	shalt  }
0x56: {  	_ =	shalt  }
0x57: {  	_ =	shalt  }
0x58: {  	_ =	shalt  }
0x59: {  	_ =	shalt  }
0x5a: {  	_ =	shalt  }
0x5b: {  	_ =	shalt  }
0x5c: {  	_ =	shalt  }
0x5d: {  	_ =	shalt  }
0x5e: {  	_ =	shalt  }
0x5f: {  	_ =	shalt  }
0x60: {  	_ =	shalt  }
0x61: {  	_ =	shalt  }
0x62: {  	_ =	shalt  }
0x63: {  	_ =	shalt  }
0x64: {  	_ =	shalt  }
0x65: {  	_ =	shalt  }
0x66: {  	_ =	shalt  }
0x67: {  	_ =	shalt  }
0x68: {  	_ =	shalt  }
0x69: {  	_ =	shalt  }
0x6a: {  	_ =	shalt  }
0x6b: {  	_ =	shalt  }
0x6c: {  	_ =	shalt  }
0x6d: {  	_ =	shalt  }
0x6e: {  	_ =	shalt  }
0x6f: {  	_ =	shalt  }
0x70: {  	_ =	shalt  }
0x71: {  	_ =	shalt  }
0x72: {  	_ =	shalt  }
0x73: {  	_ =	shalt  }
0x74: {  	_ =	shalt  }
0x75: {  	_ =	shalt  }
0x76: {  	_ =	shalt  }
0x77: {  	_ =	shalt  }
0x78: {  	_ =	shalt  }
0x79: {  	_ =	shalt  }
0x7a: {  	_ =	shalt  }
0x7b: {  	_ =	shalt  }
0x7c: {  	_ =	shalt  }
0x7d: {  	_ =	shalt  }
0x7e: {  	_ =	shalt  }
0x7f: {  	_ =	shalt  }
0x80: {  	_ =	shalt  }
0x81: {  	_ =	shalt  }
0x82: {  	_ =	shalt  }
0x83: {  	_ =	shalt  }
0x84: {  	_ =	shalt  }
0x85: {  	_ =	shalt  }
0x86: {  	_ =	shalt  }
0x87: {  	_ =	shalt  }
.Lfunc_end0:
.L_simem_size_0:
called_computation.1_lowered:
.L_overlay_start_0:
0x88: {  	s2 =	sld [smem:$0x3FD9]  }
0x89: {  	s3 =	sld [smem:$0x3FFE];
	_ =	sdelay $0x1  }
0x8a: {  	s1 =	srdreg.scid  }
0x8b: {  	s0 =	sand.u32 $0x1, s1  }
0x8c: {  	s17 =	sshll.u32 s0, $0xA;
	s2 =	sadd.s32 s3, s2  }
0x8d: {  	s2 =	sadd.s32 s2, s17  }
0x8e: {  	[smem:$0x3FC5] =	sst s2  }
0x8f: {  	_ = 	snop  }
0x90: {  	s2 =	sld [smem:$0x3FD0];
	(tm) =	ssettm $0x1  }
0x91: {  	s18 =	sld [smem:$0x3FFB];
	_ =	sdelay $0x3  }
0x92: {  	_ =	strace s18  }
0x93: {  	s3 =	sld [smem:$0x3FFC];
	_ =	sdelay $0x3  }
0x94: {  	_ =	strace s3  }
0x95: {  	s3 =	sld [smem:$0x3FFD];
	_ =	sdelay $0x3  }
0x96: {  	_ =	strace s3  }
0x97: {  	_ =	strace $0x8FFFFFFF  }
0x98: {  	s19 =	sld [smem:$0x3FDB];
	_ =	sdelay $0x1  }
0x99: {  	s4 =	simm.s32 $_scs_section_size  }
0x9a: {  	s5 =	simm.s32 $_size__tile_overlayer_lowered;
	s6 =	simm.s32 $_tile_overlayer_lowered  }
0x9b: {  	s22 =	simm.s32 $0x1BFF;
	s21 =	sshll.u32 s6, $0x1;
	s3 =	sadd.s32 s4, s19  }
0x9c: {  	s7 =	simm.s32 $0x0;
	s20 =	sshll.u32 s5, $0x1;
	s5 =	sadd.s32 s21, s3  }
0x9d: {  	[timem:s7], [sflag:s22] =	dma.local [hbm:s5], s20  }
0x9e: {  	_ =	swait.ge [sflag:s22], s20  }
0x9f: {  	s4 =	ssub.s32 $0x0, s20;
	[sflag:s22] =	ssyncset.done $0x0  }
0xa0: {  	[sflag:s22] =	ssyncadd.s32 s4;
	_ =	sdelay $0x1  }
0xa1: {  	s23 =	simm.s32 $0x1B8B  }
0xa2: {  	_ =	swait.ge [sflag:s23], $0x1  }
0xa3: {  	[sflag:s23] =	ssyncset.done $0x0  }
0xa4: {  	s25 =	simm.s32 $0x1B8E;
	s24 =	sld [smem:$0x3FFE];
	[sflag:s23] =	ssyncadd.s32 $0xFFFFFFFF  }
0xa5: {  	s26 =	simm.s32 $execute0_lowered;
	[smem:$0x3FD2] =	sst s25  }
0xa6: {  	s5 =	sshll.u32 s26, $0x1;
	_ =	strace $0x80000049;
	[dreg:$0x1] =	wrdreg $0xFFFFFFFF  }
0xa7: {  	s28 =	simm.s32 $_size_execute0_lowered;
	s3 =	sadd.s32 s3, s5;
	[dreg:$0x0] =	wrdreg $0x0  }
0xa8: {  	s5 =	sshll.u32 s28, $0x1;
	[dreg:$0x2] =	wrdreg s3  }
0xa9: {  	[dreg:$0x3] =	wrdreg s5  }
0xaa: {  	[dreg:$0x4] =	wrdreg $0xC0  }
0xab: {  	_ =	task [dreg:s7], $0x5FFFF  }
0xac: {  	[dreg:$0x1] =	wrdreg $0xFFFFFFFF  }
0xad: {  	[dreg:$0x0] =	wrdreg $0x60  }
0xae: {  	[dreg:$0x2] =	wrdreg s2  }
0xaf: {  	[dreg:$0x3] =	wrdreg s24  }
0xb0: {  	[dreg:$0x4] =	wrdreg $0x9  }
0xb1: {  	_ =	task.clear_ibuf [dreg:s7], $0x5FFFF;
	_ =	strace $0x90000049  }
0xb2: {  	s29 =	simm.s32 $0x9;
	_ =	strace $0x8000004B  }
0xb3: {  	_ =	swait.ge [sflag:s29], $0x1  }
0xb4: {  	[sflag:s29] =	ssyncadd.s32 $0xFFFFFFFF  }
0xb5: {  	_ =	strace $0x9000004B  }
0xb6: {  	_ =	sfence  }
0xb7: {  	s30 =	sld [smem:$0x0];
	_ =	sdelay $0x2  }
0xb8: {  	s31 =	sshll.u32 s1, $0xD;
	s1 =	sshrl.u32 s1, $0x2  }
0xb9: {  	s3 =	sand.u32 $0x4000, s31;
	s1 =	sadd.s32 s1, s30  }
0xba: {  	s0 =	sor.u32 s3, s0;
	s1 =	sshll.u32 s1, $0x11  }
0xbb: {  	s0 =	sor.u32 s1, s0  }
0xbc: {  	s0 =	sadd.s32 $0x8F2B, s0  }
0xbd: {  	[sflag:s0] =	ssyncadd.remote.s32 $0x1  }
0xbe: {  	_ =	sfence.sel $0xFFFF  }
0xbf: {  	[dreg:$0x0] =	wrdreg $0xFFFFFFFF;
	(pc) =	sbr.abs _section_cstart, $3  }
0xc0: {  	[dreg:$0x1] =	wrdreg $0xFFFFFFFF  }
0xc1: {  	_ =	task.clear_ibuf [dreg:s7], $0x2FFFF;
	_ =	strace $0x9FFFFFFF  }
0xc2: {  	(tm) =	ssettm $0x7FFFFFFF  }
0xc3: {  	_ =	shalt  }
tec
execute0_lowered:
.L_overlay_start_1:
0x0: {  	(tag) =	ssettag $0x1  }
0x1: {  	s2 =	rddreg [dreg:$0x0]  }
0x2: {  	s5 =	rddreg [dreg:$0x1]  }
0x3: {  	s0 =	rddreg [dreg:$0x2];
	s1 =	stileid.u32  }
0x4: {  	s4 =	srdreg.scid;
	s3 =	simm.s32 $0x0;
	s6 =	smul.u32 $0x500, s1  }
0x5: {  	s15 =	simm.s32 $0x3800;
	s16 =	simm.s32 $0x4800;
	s8 =	smul.u32 $0xC0000, s1  }
0x6: {  	s17 =	simm.s32 $0x5800;
	s18 =	simm.s32 $0x6800;
	s11 =	smul.u32 $0x3, s1  }
0x7: {  	s19 =	simm.s32 $0x7800;
	s4 =	sand.u32 $0x1, s4;
	s31 =	smul.u32 $0x2A000, s1  }
0x8: {  	s20 =	simm.s32 $0x0;
	[smem:$0x7FF] =	sst s3;
	s10 =	smul.u32 $0x7000, s4  }
0x9: {  	_ =	strace $0x8000004A;
	s7 =	ssub.s32 $0x2, s4;
	s4 =	sadd.s32 $0x5000, s5  }
0xa: {  	s9 =	sshrl.u32 s7, $0x1;
	s5 =	sadd.s32 s5, s6;
	s30 =	sadd.s32 $0x1, s11  }
0xb: {  	s11 =	sshll.u32 s11, $0x12;
	s12 =	ssub.s32 s7, s9;
	s29 =	sadd.s32 $0x32000, s10  }
0xc: {  	s13 =	sshll.u32 s30, $0x12;
	s14 =	smul.u32 $0xE000, s30;
	s6 =	sor.u32 s8, s29  }
0xd: {  	s7 =	sor.u32 s13, s29;
	s9 =	sor.u32 s29, s11;
	s8 =	sadd.s32 s10, s31  }
0xe: {  	s12 =	smax.u32 s12, $0x1;
	s13 =	simm.s32 $0x1;
	s9 =	sadd.s32 $0x80000, s9  }
0xf: {  	s10 =	sadd.s32 s10, s14;
	s11 =	sadd.s32 $0x1C000, s8;
	s14 =	simm.s32 $0x2800  }
.LBB2_1:
0x10: {  	[tilespmem:s3], [sflag:$0x1] =	stream.linear.gather [hbm4b:s5+s3], $0x2800, $0x38;
	[tilespmem:$0x8800] =	vst v63  }
0x11: {  	_ =	swait.ge [sflag:s13], $0x2800  }
0x12: {  	[sflag:s13] =	ssyncset.done $0x0  }
0x13: {  	[sflag:s13] =	ssyncadd.s32 $0xFFFFD800  }
0x14: {  	v0 =	vld [tilespmem:$0x0];
	_ =	sdelay $0x4  }
0x15: {  	[tilespmem:$0x1FD00] =	vst v0;
	v0 =	vld [tilespmem:$0x80];
	_ =	sdelay $0x4  }
0x16: {  	[tilespmem:$0x1FD10] =	vst v0;
	v0 =	vld [tilespmem:$0x100];
	_ =	sdelay $0x4  }
0x17: {  	[tilespmem:$0x1FD20] =	vst v0;
	v0 =	vld [tilespmem:$0x180];
	_ =	sdelay $0x4  }
0x18: {  	[tilespmem:$0x1FD30] =	vst v0;
	v0 =	vld [tilespmem:$0x200];
	_ =	sdelay $0x4  }
0x19: {  	[tilespmem:$0x1FD40] =	vst v0;
	v0 =	vld [tilespmem:$0x280];
	_ =	sdelay $0x4  }
0x1a: {  	[tilespmem:$0x1FD50] =	vst v0;
	v0 =	vld [tilespmem:$0x300];
	_ =	sdelay $0x4  }
0x1b: {  	[tilespmem:$0x1FD60] =	vst v0;
	v0 =	vld [tilespmem:$0x380];
	_ =	sdelay $0x4  }
0x1c: {  	[tilespmem:$0x1FD70] =	vst v0;
	v0 =	vld [tilespmem:$0x400];
	_ =	sdelay $0x4  }
0x1d: {  	[tilespmem:$0x1FD80] =	vst v0;
	v0 =	vld [tilespmem:$0x480];
	_ =	sdelay $0x4  }
0x1e: {  	[tilespmem:$0x1FD90] =	vst v0;
	v0 =	vld [tilespmem:$0x500];
	_ =	sdelay $0x4  }
0x1f: {  	[tilespmem:$0x1FDA0] =	vst v0;
	v0 =	vld [tilespmem:$0x580];
	_ =	sdelay $0x4  }
0x20: {  	[tilespmem:$0x1FDB0] =	vst v0;
	v0 =	vld [tilespmem:$0x600];
	_ =	sdelay $0x4  }
0x21: {  	[tilespmem:$0x1FDC0] =	vst v0;
	v0 =	vld [tilespmem:$0x680];
	_ =	sdelay $0x4  }
0x22: {  	[tilespmem:$0x1FDD0] =	vst v0;
	v0 =	vld [tilespmem:$0x700];
	_ =	sdelay $0x4  }
0x23: {  	[tilespmem:$0x1FDE0] =	vst v0;
	v0 =	vld [tilespmem:$0x780];
	_ =	sdelay $0x4  }
0x24: {  	[tilespmem:$0x1FDF0] =	vst v0;
	v0 =	vld [tilespmem:$0x800];
	_ =	sdelay $0x4  }
0x25: {  	[tilespmem:$0x1FE00] =	vst v0;
	v0 =	vld [tilespmem:$0x880];
	_ =	sdelay $0x4  }
0x26: {  	[tilespmem:$0x1FE10] =	vst v0;
	v0 =	vld [tilespmem:$0x900];
	_ =	sdelay $0x4  }
0x27: {  	[tilespmem:$0x1FE20] =	vst v0;
	v0 =	vld [tilespmem:$0x980];
	_ =	sdelay $0x4  }
0x28: {  	[tilespmem:$0x1FE30] =	vst v0;
	v0 =	vld [tilespmem:$0xA00];
	_ =	sdelay $0x4  }
0x29: {  	[tilespmem:$0x1FE40] =	vst v0;
	v0 =	vld [tilespmem:$0xA80];
	_ =	sdelay $0x4  }
0x2a: {  	[tilespmem:$0x1FE50] =	vst v0;
	v0 =	vld [tilespmem:$0xB00];
	_ =	sdelay $0x4  }
0x2b: {  	[tilespmem:$0x1FE60] =	vst v0;
	v0 =	vld [tilespmem:$0xB80];
	_ =	sdelay $0x4  }
0x2c: {  	[tilespmem:$0x1FE70] =	vst v0;
	v0 =	vld [tilespmem:$0xC00];
	_ =	sdelay $0x4  }
0x2d: {  	[tilespmem:$0x1FE80] =	vst v0;
	v0 =	vld [tilespmem:$0xC80];
	_ =	sdelay $0x4  }
0x2e: {  	[tilespmem:$0x1FE90] =	vst v0;
	v0 =	vld [tilespmem:$0xD00];
	_ =	sdelay $0x4  }
0x2f: {  	[tilespmem:$0x1FEA0] =	vst v0;
	v0 =	vld [tilespmem:$0xD80];
	_ =	sdelay $0x4  }
0x30: {  	[tilespmem:$0x1FEB0] =	vst v0;
	v0 =	vld [tilespmem:$0xE00];
	_ =	sdelay $0x4  }
0x31: {  	[tilespmem:$0x1FEC0] =	vst v0;
	v0 =	vld [tilespmem:$0xE80];
	_ =	sdelay $0x4  }
0x32: {  	[tilespmem:$0x1FED0] =	vst v0;
	v0 =	vld [tilespmem:$0xF00];
	_ =	sdelay $0x4  }
0x33: {  	[tilespmem:$0x1FEE0] =	vst v0;
	v0 =	vld [tilespmem:$0xF80];
	_ =	sdelay $0x4  }
0x34: {  	[tilespmem:$0x1FEF0] =	vst v0;
	v0 =	vld [tilespmem:$0x1000];
	_ =	sdelay $0x4  }
0x35: {  	[tilespmem:$0x1FF00] =	vst v0;
	v0 =	vld [tilespmem:$0x1080];
	_ =	sdelay $0x4  }
0x36: {  	[tilespmem:$0x1FF10] =	vst v0;
	v0 =	vld [tilespmem:$0x1100];
	_ =	sdelay $0x4  }
0x37: {  	[tilespmem:$0x1FF20] =	vst v0;
	v0 =	vld [tilespmem:$0x1180];
	_ =	sdelay $0x4  }
0x38: {  	[tilespmem:$0x1FF30] =	vst v0;
	v0 =	vld [tilespmem:$0x1200];
	_ =	sdelay $0x4  }
0x39: {  	[tilespmem:$0x1FF40] =	vst v0;
	v0 =	vld [tilespmem:$0x1280]  }
0x3a: {  	v45 =	vld [tilespmem:$0x1680]  }
0x3b: {  	v49 =	vld [tilespmem:$0x1700]  }
0x3c: {  	v47 =	vld [tilespmem:$0x1780]  }
0x3d: {  	v50 =	vld [tilespmem:$0x1800]  }
0x3e: {  	[tilespmem:$0x1FF50] =	vst v0;
	v0 =	vld [tilespmem:$0x1300]  }
0x3f: {  	v46 =	vld [tilespmem:$0x1880]  }
0x40: {  	v51 =	vld [tilespmem:$0x1900]  }
0x41: {  	v48 =	vld [tilespmem:$0x1980]  }
0x42: {  	v52 =	vld [tilespmem:$0x1A00]  }
0x43: {  	[tilespmem:$0x1FF60] =	vst v0;
	v0 =	vld [tilespmem:$0x1380]  }
0x44: {  	v53 =	vld [tilespmem:$0x1A80]  }
0x45: {  	v54 =	vld [tilespmem:$0x1B00]  }
0x46: {  	v55 =	vld [tilespmem:$0x1B80]  }
0x47: {  	v56 =	vld [tilespmem:$0x1C00]  }
0x48: {  	[tilespmem:$0x1FF70] =	vst v0;
	v0 =	vld [tilespmem:$0x1400]  }
0x49: {  	v57 =	vld [tilespmem:$0x1C80]  }
0x4a: {  	v58 =	vld [tilespmem:$0x1D00]  }
0x4b: {  	v59 =	vld [tilespmem:$0x1D80]  }
0x4c: {  	v60 =	vld [tilespmem:$0x1E00]  }
0x4d: {  	[tilespmem:$0x1FF80] =	vst v0;
	v0 =	vld [tilespmem:$0x1480]  }
0x4e: {  	v61 =	vld [tilespmem:$0x1E80]  }
0x4f: {  	v62 =	vld [tilespmem:$0x1F00]  }
0x50: {  	v63 =	vld [tilespmem:$0x1F80]  }
0x51: {  	v1 =	vld [tilespmem:$0x2080]  }
0x52: {  	[tilespmem:$0x1FF90] =	vst v0;
	v0 =	vld [tilespmem:$0x1500]  }
0x53: {  	v2 =	vld [tilespmem:$0x2100]  }
0x54: {  	v3 =	vld [tilespmem:$0x2180]  }
0x55: {  	v4 =	vld [tilespmem:$0x2200]  }
0x56: {  	v5 =	vld [tilespmem:$0x2280]  }
0x57: {  	[tilespmem:$0x1FFA0] =	vst v0;
	v0 =	vld [tilespmem:$0x1580]  }
0x58: {  	v6 =	vld [tilespmem:$0x2300]  }
0x59: {  	v7 =	vld [tilespmem:$0x2380]  }
0x5a: {  	v8 =	vld [tilespmem:$0x2400]  }
0x5b: {  	v9 =	vld [tilespmem:$0x2480]  }
0x5c: {  	[tilespmem:$0x1FFB0] =	vst v0;
	v0 =	vld [tilespmem:$0x1600]  }
0x5d: {  	v10 =	vld [tilespmem:$0x2500]  }
0x5e: {  	v11 =	vld [tilespmem:$0x2580];
	[tilespmem:$0x1FFD0] =	vst v47  }
0x5f: {  	v12 =	vld [tilespmem:$0x2600];
	[tilespmem:$0x1FFE0] =	vst v46  }
0x60: {  	v13 =	vld [tilespmem:$0x2680];
	[tilespmem:$0x1FFF0] =	vst v50  }
0x61: {  	s21 =	simm.s32 $0x0;
	[tilespmem:$0x1FFC0] =	vst v0;
	v0 =	vld [tilespmem:$0x2000]  }
.LBB2_2:
0x62: {  	s22 =	sshll.u32 s21, $0xC  }
0x63: {  	s23 =	sadd.s32 s6, s22  }
0x64: {  	s23 =	sshrl.u32 s23, $0x3  }
0x65: {  	s24 =	simm.s32 $0x0;
	s23 =	sadd.s32 s2, s23  }
0x66: {  	[tilespmem:s14], [sflag:$0x1] =	stream.linear.gather [hbm4b:s23+s24], $0x1000, $0x38;
	[tilespmem:$0x8800] =	vst v63  }
0x67: {  	s30 =	sadd.s32 s7, s22;
	_ =	swait.ge [sflag:s13], $0x1000  }
0x68: {  	s23 =	sshrl.u32 s30, $0x3;
	[sflag:s13] =	ssyncset.done $0x0  }
0x69: {  	s23 =	sadd.s32 s2, s23;
	[sflag:s13] =	ssyncadd.s32 $0xFFFFF000  }
0x6a: {  	[tilespmem:s15], [sflag:$0x1] =	stream.linear.gather [hbm4b:s23+s24], $0x1000, $0x38;
	[tilespmem:$0x8800] =	vst v63  }
0x6b: {  	s31 =	sadd.s32 s9, s22;
	_ =	swait.ge [sflag:s13], $0x1000  }
0x6c: {  	s23 =	sshrl.u32 s31, $0x3;
	[sflag:s13] =	ssyncset.done $0x0  }
0x6d: {  	s23 =	sadd.s32 s2, s23;
	[sflag:s13] =	ssyncadd.s32 $0xFFFFF000  }
0x6e: {  	[tilespmem:s16], [sflag:$0x1] =	stream.linear.gather [hbm4b:s23+s24], $0x1000, $0x38;
	[tilespmem:$0x8800] =	vst v63  }
0x6f: {  	_ =	swait.ge [sflag:s13], $0x1000  }
0x70: {  	[sflag:s13] =	ssyncset.done $0x0  }
0x71: {  	s23 =	simm.s32 $0x0;
	[sflag:s13] =	ssyncadd.s32 $0xFFFFF000  }
0x72: {  	v14 =	vld [tilespmem:s23+$0x2800]  }
0x73: {  	v15 =	vld [tilespmem:s23+$0x3800]  }
0x74: {  	v16 =	vld [tilespmem:s23+$0x4800];
	_ =	sdelay $0x2  }
0x75: {  	v17 =	vshrl.u32 v14, $0x10  }
0x76: {  	v18 =	vshrl.u32 v15, $0x10;
	v17 =	vand.u32 $0x1, v17  }
0x77: {  	v18 =	vand.u32 $0x1, v18;
	v14 =	vadd.s32 v17, v14;
	v17 =	vshrl.u32 v16, $0x10  }
0x78: {  	v15 =	vadd.s32 v18, v15;
	v18 =	vld [tilespmem:$0x1FD50];
	v17 =	vand.u32 $0x1, v17  }
0x79: {  	v16 =	vadd.s32 v17, v16;
	v17 =	vld [tilespmem:$0x1FD20];
	_ =	sdelay $0x1  }
0x7a: {  	v20 =	vld [tilespmem:$0x1FD30]  }
0x7b: {  	v21 =	vld [tilespmem:$0x1FD40];
	v14 =	vadd.s32 $0x7FFF, v14;
	v15 =	vadd.s32 $0x7FFF, v15  }
0x7c: {  	v14 =	vand.u32 $0xFFFF0000, v14;
	v15 =	vand.u32 $0xFFFF0000, v15  }
0x7d: {  	v38 =	vld [tilespmem:$0x1FD00];
	v18 =	vmul.f32 v15, v18;
	v17 =	vmul.f32 v14, v17  }
0x7e: {  	v44 =	vld [tilespmem:$0x1FD10]  }
0x7f: {  	v17 =	vadd.f32 v18, v17;
	v18 =	vld [tilespmem:$0x1FD80]  }
0x80: {  	v20 =	vmul.f32 v15, v20;
	v15 =	vmul.f32 v15, v21;
	v21 =	vld [tilespmem:$0x1FD60]  }
0x81: {  	v41 =	vld [tilespmem:$0x1FD70]  }
0x82: {  	v16 =	vadd.s32 $0x7FFF, v16  }
0x83: {  	v19 =	vmul.f32 v14, v38;
	v16 =	vand.u32 $0xFFFF0000, v16  }
0x84: {  	v14 =	vmul.f32 v14, v44;
	v18 =	vmul.f32 v16, v18  }
0x85: {  	v19 =	vadd.f32 v20, v19;
	v21 =	vmul.f32 v16, v21  }
0x86: {  	v14 =	vadd.f32 v15, v14;
	v15 =	vmul.f32 v16, v41;
	v16 =	vadd.f32 v18, v17;
	v18 =	vld [tilespmem:$0x1FE80]  }
0x87: {  	v17 =	vadd.f32 v21, v19;
	v19 =	vld [tilespmem:$0x1FEF0];
	_ =	sdelay $0x3  }
0x88: {  	v14 =	vadd.f32 v15, v14;
	v15 =	vld [tilespmem:$0x1FE20]  }
0x89: {  	v18 =	vmax.f32 v17, v18;
	v19 =	vmax.f32 v17, v19  }
0x8a: {  	[tilespmem:$0x1FCC0] =	vst v19;
	v19 =	vmul.f32 v18, v50;
	v18 =	vld [tilespmem:$0x1FE50];
	_ =	sdelay $0x1  }
0x8b: {  	v39 =	vld [tilespmem:$0x1FE30]  }
0x8c: {  	v36 =	vld [tilespmem:$0x1FF00];
	v15 =	vmul.f32 v17, v15  }
0x8d: {  	v40 =	vld [tilespmem:$0x1FE40]  }
0x8e: {  	v42 =	vld [tilespmem:$0x1FE60];
	v15 =	vadd.f32 v15, v18  }
0x8f: {  	v18 =	vld [tilespmem:$0x1FF10]  }
0x90: {  	v15 =	vadd.f32 v19, v15;
	v19 =	vld [tilespmem:$0x1FF80]  }
0x91: {  	v43 =	vld [tilespmem:$0x1FE70];
	v22 =	vmul.f32 v14, v39  }
0x92: {  	v34 =	vld [tilespmem:$0x1FE90];
	v23 =	vmax.f32 v14, v36  }
0x93: {  	v29 =	vld [tilespmem:$0x1FF90];
	v23 =	vmul.f32 v23, v56;
	v22 =	vadd.f32 v22, v42  }
0x94: {  	v21 =	vmax.f32 v14, v18;
	v18 =	vmul.f32 v16, v40  }
0x95: {  	v22 =	vadd.f32 v23, v22;
	v23 =	vld [tilespmem:$0x1FEA0];
	v19 =	vmax.f32 v16, v19  }
0x96: {  	v18 =	vadd.f32 v18, v43;
	v19 =	vmul.f32 v19, v0  }
0x97: {  	v28 =	vld [tilespmem:$0x1FFA0]  }
0x98: {  	v30 =	vld [tilespmem:$0x1FEB0];
	v20 =	vmax.f32 v17, v34;
	v18 =	vadd.f32 v19, v18;
	v19 =	vmax.f32 v16, v29  }
0x99: {  	v20 =	vmul.f32 v20, v46;
	v19 =	vmul.f32 v19, v1  }
0x9a: {  	v27 =	vld [tilespmem:$0x1FEC0];
	v23 =	vmax.f32 v17, v23;
	v21 =	vmul.f32 v21, v57  }
0x9b: {  	v23 =	vmul.f32 v23, v51;
	v15 =	vadd.f32 v15, v20;
	v18 =	vadd.f32 v18, v19;
	v19 =	vld [tilespmem:$0x1FFB0]  }
0x9c: {  	v21 =	vadd.f32 v22, v21;
	v22 =	vmax.f32 v16, v28  }
0x9d: {  	v20 =	vld [tilespmem:$0x1FF20];
	v15 =	vadd.f32 v15, v23;
	v23 =	vmax.f32 v17, v30;
	v22 =	vmul.f32 v22, v2  }
0x9e: {  	v23 =	vmul.f32 v23, v48  }
0x9f: {  	v18 =	vadd.f32 v18, v22;
	v22 =	vmax.f32 v17, v27  }
0xa0: {  	v15 =	vadd.f32 v15, v23;
	v22 =	vmul.f32 v22, v52;
	v19 =	vmax.f32 v16, v19  }
0xa1: {  	v26 =	vld [tilespmem:$0x1FED0];
	v19 =	vmul.f32 v19, v3  }
0xa2: {  	v20 =	vmax.f32 v14, v20;
	v15 =	vadd.f32 v15, v22;
	v22 =	vld [tilespmem:$0x1FEE0]  }
0xa3: {  	v20 =	vmul.f32 v20, v58;
	v18 =	vadd.f32 v18, v19;
	v19 =	vld [tilespmem:$0x1FFC0]  }
0xa4: {  	v23 =	vld [tilespmem:$0x1FF70]  }
0xa5: {  	v20 =	vadd.f32 v21, v20;
	v21 =	vld [tilespmem:$0x1FF30];
	_ =	sdelay $0x1  }
0xa6: {  	vm1 =	vlt.f32 v17, v8;
	vm2 =	vgt.f32 v17, v11  }
0xa7: {  	v32 =	vld [tilespmem:$0x1FF40];
	v22 =	vmax.f32 v17, v22;
	v17 =	vmax.f32 v17, v26;
	v19 =	vmax.f32 v16, v19  }
0xa8: {  	v17 =	vmul.f32 v17, v53;
	v19 =	vmul.f32 v19, v4  }
0xa9: {  	v33 =	vld [tilespmem:$0x1FF50];
	v24 =	vmax.f32 v14, v23;
	v21 =	vmax.f32 v14, v21  }
0xaa: {  	v21 =	vmul.f32 v21, v59;
	v23 =	vadd.f32 v18, v19;
	v18 =	vadd.f32 v15, v17;
	v15 =	vld [tilespmem:$0x1FF60];
	_ =	sdelay $0x1  }
0xab: {  	v20 =	vadd.f32 v20, v21;
	v21 =	vmax.f32 v14, v32  }
0xac: {  	v21 =	vmul.f32 v21, v60;
	_ =	sdelay $0x1  }
0xad: {  	v20 =	vadd.f32 v20, v21;
	v21 =	vmax.f32 v14, v33;
	v17 =	vmax.f32 v14, v15;
	v15 =	vld [tilespmem:$0x1FCC0]  }
0xae: {  	vm3 =	vlt.f32 v14, v9;
	v21 =	vmul.f32 v21, v61  }
0xaf: {  	vm4 =	vgt.f32 v14, v12;
	v22 =	vmul.f32 v22, v54;
	v19 =	vmax.f32 v16, v45  }
0xb0: {  	v20 =	vadd.f32 v20, v21;
	v21 =	vmax.f32 v16, v49;
	v19 =	vmul.f32 v19, v5  }
0xb1: {  	vm7 =	vmor vm3, vm4;
	v21 =	vmul.f32 v21, v6;
	v17 =	vmul.f32 v17, v62  }
0xb2: {  	v18 =	vadd.f32 v18, v22;
	v19 =	vadd.f32 v23, v19;
	v15 =	vmul.f32 v15, v55  }
0xb3: {  	v14 =	vmax.f32 v16, v47;
	v17 =	vadd.f32 v20, v17;
	v20 =	vmul.f32 v24, v63  }
0xb4: {  	v19 =	vadd.f32 v19, v21;
	v14 =	vmul.f32 v14, v7;
	v15 =	vadd.f32 v18, v15  }
0xb5: {  	vm0 =	vlt.f32 v16, v10;
	vm1 =	vmor vm1, vm2;
	v17 =	vadd.f32 v17, v20  }
0xb6: {  	vm8 =	vgt.f32 v16, v13;
	v14 =	vadd.f32 v19, v14;
	v15 =	vsel vm1, $0x42C60000, v15  }
0xb7: {  	vm0 =	vmor vm0, vm8;
	v16 =	vsel vm7, $0x42C60000, v17;
	v17 =	vshrl.u32 v15, $0x10  }
0xb8: {  	v19 =	vsel vm0, $0x42C60000, v14;
	v18 =	vshrl.u32 v16, $0x10;
	v17 =	vand.u32 $0x1, v17  }
0xb9: {  	v14 =	vand.u32 $0x1, v18;
	v15 =	vadd.s32 v17, v15;
	v17 =	vshrl.u32 v19, $0x10  }
0xba: {  	v14 =	vadd.s32 v14, v16;
	v15 =	vadd.s32 $0x7FFF, v15;
	v16 =	vand.u32 $0x1, v17  }
0xbb: {  	v17 =	vadd.s32 $0x7FFF, v14;
	v14 =	vand.u32 $0xFFFF0000, v15;
	v15 =	vadd.s32 v16, v19;
	v16 =	vld [tilespmem:$0x1FDB0];
	_ =	sdelay $0x4  }
0xbc: {  	v20 =	vand.u32 $0xFFFF0000, v17;
	v17 =	vmul.f32 v14, v16;
	v16 =	vld [tilespmem:$0x1FDE0];
	_ =	sdelay $0x3  }
0xbd: {  	v15 =	vadd.s32 $0x7FFF, v15  }
0xbe: {  	v21 =	vmul.f32 v20, v16;
	v16 =	vand.u32 $0xFFFF0000, v15;
	v15 =	vld [tilespmem:$0x1FD90];
	_ =	sdelay $0x1  }
0xbf: {  	s24 =	simm.s32 $0x10;
	v17 =	vadd.f32 v21, v17  }
0xc0: {  	v22 =	vld [tilespmem:s24+$0x2800]  }
0xc1: {  	[tilespmem:$0x1FCD0] =	vst v17;
	v17 =	vld [tilespmem:$0x1FE10]  }
0xc2: {  	[tilespmem:$0x1FCE0] =	vst v14;
	v35 =	vmul.f32 v14, v15;
	v14 =	vld [tilespmem:$0x1FDC0]  }
0xc3: {  	v18 =	vld [tilespmem:s24+$0x3800];
	_ =	sdelay $0x1  }
0xc4: {  	v19 =	vld [tilespmem:s24+$0x4800];
	_ =	sdelay $0x1  }
0xc5: {  	[tilespmem:$0x1FCF0] =	vst v20;
	v21 =	vmul.f32 v16, v17;
	v23 =	vmul.f32 v20, v14;
	v14 =	vshrl.u32 v22, $0x10;
	v20 =	vmovc v16;
	v16 =	vld [tilespmem:$0x1FD20]  }
0xc6: {  	v15 =	vshrl.u32 v18, $0x10;
	v14 =	vand.u32 $0x1, v14  }
0xc7: {  	v15 =	vand.u32 $0x1, v15;
	v14 =	vadd.s32 v14, v22  }
0xc8: {  	v15 =	vadd.s32 v15, v18;
	v18 =	vshrl.u32 v19, $0x10;
	v14 =	vadd.s32 $0x7FFF, v14  }
0xc9: {  	v18 =	vand.u32 $0x1, v18;
	v14 =	vand.u32 $0xFFFF0000, v14  }
0xca: {  	v18 =	vadd.s32 v18, v19;
	v19 =	vmul.f32 v14, v16;
	v16 =	vld [tilespmem:$0x1FD50];
	_ =	sdelay $0x2  }
0xcb: {  	v15 =	vadd.s32 $0x7FFF, v15  }
0xcc: {  	v15 =	vand.u32 $0xFFFF0000, v15  }
0xcd: {  	v22 =	vmul.f32 v15, v16;
	v16 =	vld [tilespmem:$0x1FD30];
	_ =	sdelay $0x4  }
0xce: {  	v25 =	vld [tilespmem:$0x1FD40];
	v17 =	vmul.f32 v14, v38;
	v16 =	vmul.f32 v15, v16  }
0xcf: {  	v24 =	vadd.f32 v23, v35;
	v23 =	vld [tilespmem:$0x1FD60]  }
0xd0: {  	v16 =	vadd.f32 v16, v17;
	v17 =	vadd.f32 v22, v19;
	v19 =	vld [tilespmem:$0x1FD80];
	_ =	sdelay $0x1  }
0xd1: {  	v18 =	vadd.s32 $0x7FFF, v18  }
0xd2: {  	v18 =	vand.u32 $0xFFFF0000, v18;
	v14 =	vmul.f32 v14, v44;
	v15 =	vmul.f32 v15, v25  }
0xd3: {  	v23 =	vmul.f32 v18, v23  }
0xd4: {  	v14 =	vadd.f32 v15, v14;
	v15 =	vmul.f32 v18, v41;
	v18 =	vmul.f32 v18, v19  }
0xd5: {  	v19 =	vld [tilespmem:$0x1FDF0]  }
0xd6: {  	v14 =	vadd.f32 v15, v14;
	v15 =	vadd.f32 v18, v17;
	v17 =	vld [tilespmem:$0x1FE20];
	_ =	sdelay $0x2  }
0xd7: {  	v16 =	vadd.f32 v23, v16  }
0xd8: {  	v38 =	vmov v20;
	v19 =	vmul.f32 v20, v19;
	v20 =	vld [tilespmem:$0x1FCD0]  }
0xd9: {  	v18 =	vmul.f32 v16, v17;
	v17 =	vld [tilespmem:$0x1FE80];
	_ =	sdelay $0x4  }
0xda: {  	v31 =	vadd.f32 v20, v21;
	v21 =	vmax.f32 v16, v17;
	v17 =	vld [tilespmem:$0x1FFF0];
	_ =	sdelay $0x2  }
0xdb: {  	v35 =	vadd.f32 v24, v19;
	v19 =	vld [tilespmem:$0x1FF10];
	_ =	sdelay $0x1  }
0xdc: {  	v22 =	vmul.f32 v14, v39;
	v21 =	vmul.f32 v21, v17;
	v17 =	vld [tilespmem:$0x1FE50]  }
0xdd: {  	v23 =	vmax.f32 v14, v36  }
0xde: {  	v23 =	vmul.f32 v23, v56;
	v22 =	vadd.f32 v22, v42  }
0xdf: {  	v19 =	vmax.f32 v14, v19  }
0xe0: {  	v22 =	vadd.f32 v23, v22;
	v19 =	vmul.f32 v19, v57  }
0xe1: {  	v37 =	vld [tilespmem:$0x1FFE0];
	v18 =	vadd.f32 v18, v17  }
0xe2: {  	v19 =	vadd.f32 v22, v19;
	v22 =	vld [tilespmem:$0x1FF20]  }
0xe3: {  	v18 =	vadd.f32 v21, v18;
	v21 =	vld [tilespmem:$0x1FF80];
	_ =	sdelay $0x1  }
0xe4: {  	v20 =	vmax.f32 v16, v34  }
0xe5: {  	v20 =	vmul.f32 v20, v37  }
0xe6: {  	v17 =	vmul.f32 v15, v40  }
0xe7: {  	v22 =	vmax.f32 v14, v22;
	v18 =	vadd.f32 v18, v20;
	v20 =	vld [tilespmem:$0x1FEA0];
	v21 =	vmax.f32 v15, v21  }
0xe8: {  	v22 =	vmul.f32 v22, v58;
	v17 =	vadd.f32 v17, v43;
	v21 =	vmul.f32 v21, v0  }
0xe9: {  	v23 =	vmax.f32 v15, v29  }
0xea: {  	v23 =	vmul.f32 v23, v1;
	v19 =	vadd.f32 v19, v22;
	v22 =	vld [tilespmem:$0x1FF30];
	v17 =	vadd.f32 v21, v17  }
0xeb: {  	v21 =	vmax.f32 v15, v28  }
0xec: {  	v20 =	vmax.f32 v16, v20;
	v21 =	vmul.f32 v21, v2;
	v17 =	vadd.f32 v17, v23  }
0xed: {  	v20 =	vmul.f32 v20, v51  }
0xee: {  	v23 =	vmax.f32 v16, v30;
	v17 =	vadd.f32 v17, v21;
	v21 =	vld [tilespmem:$0x1FFB0]  }
0xef: {  	v22 =	vmax.f32 v14, v22;
	v18 =	vadd.f32 v18, v20;
	v23 =	vmul.f32 v23, v48  }
0xf0: {  	v22 =	vmul.f32 v22, v59;
	v20 =	vmax.f32 v16, v27  }
0xf1: {  	v20 =	vmul.f32 v20, v52;
	v18 =	vadd.f32 v18, v23  }
0xf2: {  	v19 =	vadd.f32 v19, v22;
	v22 =	vmax.f32 v16, v26  }
0xf3: {  	v22 =	vmul.f32 v22, v53;
	v18 =	vadd.f32 v18, v20;
	v21 =	vmax.f32 v15, v21  }
0xf4: {  	v21 =	vmul.f32 v21, v3  }
0xf5: {  	v18 =	vadd.f32 v18, v22;
	v22 =	vld [tilespmem:$0x1FEE0]  }
0xf6: {  	v23 =	vmax.f32 v14, v32;
	v17 =	vadd.f32 v17, v21;
	v21 =	vld [tilespmem:$0x1FFC0]  }
0xf7: {  	v23 =	vmul.f32 v23, v60  }
0xf8: {  	v20 =	vmax.f32 v14, v33  }
0xf9: {  	v19 =	vadd.f32 v19, v23;
	v20 =	vmul.f32 v20, v61  }
0xfa: {  	v22 =	vmax.f32 v16, v22  }
0xfb: {  	v19 =	vadd.f32 v19, v20;
	v20 =	vld [tilespmem:$0x1FF60];
	v22 =	vmul.f32 v22, v54;
	v21 =	vmax.f32 v15, v21  }
0xfc: {  	v21 =	vmul.f32 v21, v4  }
0xfd: {  	v23 =	vmax.f32 v15, v45;
	v18 =	vadd.f32 v18, v22;
	v22 =	vld [tilespmem:$0x1FF70]  }
0xfe: {  	v23 =	vmul.f32 v23, v5;
	v17 =	vadd.f32 v17, v21;
	_ =	sdelay $0x1  }
0xff: {  	v20 =	vmax.f32 v14, v20;
	v17 =	vadd.f32 v17, v23;
	v23 =	vld [tilespmem:$0x1FEF0]  }
0x100: {  	v20 =	vmul.f32 v20, v62  }
0x101: {  	v22 =	vmax.f32 v14, v22  }
0x102: {  	v19 =	vadd.f32 v19, v20;
	v20 =	vmul.f32 v22, v63  }
0x103: {  	vm9 =	vlt.f32 v16, v8  }
0x104: {  	vm10 =	vgt.f32 v16, v11;
	v23 =	vmax.f32 v16, v23;
	v16 =	vadd.f32 v19, v20;
	v19 =	vld [tilespmem:$0x1FFD0]  }
0x105: {  	vm11 =	vlt.f32 v14, v9;
	vm12 =	vgt.f32 v14, v12;
	v23 =	vmul.f32 v23, v55  }
0x106: {  	vm0 =	vmor vm9, vm10;
	vm1 =	vmor vm11, vm12  }
0x107: {  	vm13 =	vlt.f32 v15, v10;
	v21 =	vmax.f32 v15, v49;
	v18 =	vadd.f32 v18, v23  }
0x108: {  	vm14 =	vgt.f32 v15, v13;
	v21 =	vmul.f32 v21, v6;
	v16 =	vsel vm1, $0x42C60000, v16  }
0x109: {  	v19 =	vmax.f32 v15, v19;
	v15 =	vsel vm0, $0x42C60000, v18;
	v18 =	vshrl.u32 v16, $0x10  }
0x10a: {  	v18 =	vand.u32 $0x1, v18  }
0x10b: {  	v17 =	vadd.f32 v17, v21;
	v14 =	vmul.f32 v19, v7;
	v16 =	vadd.s32 v18, v16  }
0x10c: {  	v16 =	vadd.s32 $0x7FFF, v16  }
0x10d: {  	v14 =	vadd.f32 v17, v14;
	v22 =	vand.u32 $0xFFFF0000, v16;
	v16 =	vld [tilespmem:$0x1FDE0]  }
0x10e: {  	vm15 =	vmor vm13, vm14;
	v17 =	vshrl.u32 v15, $0x10  }
0x10f: {  	v17 =	vand.u32 $0x1, v17;
	v14 =	vsel vm15, $0x42C60000, v14  }
0x110: {  	v15 =	vadd.s32 v17, v15;
	v17 =	vshrl.u32 v14, $0x10  }
0x111: {  	v40 =	vld [tilespmem:$0x1FDA0];
	v17 =	vand.u32 $0x1, v17  }
0x112: {  	v14 =	vadd.s32 v17, v14;
	v17 =	vmul.f32 v22, v16;
	v16 =	vld [tilespmem:$0x1FCE0]  }
0x113: {  	v15 =	vadd.s32 $0x7FFF, v15  }
0x114: {  	v21 =	vand.u32 $0xFFFF0000, v15;
	v15 =	vld [tilespmem:$0x1FDB0];
	_ =	sdelay $0x1  }
0x115: {  	v25 =	vld [tilespmem:$0x1FDD0]  }
0x116: {  	v20 =	vmul.f32 v16, v40;
	v16 =	vld [tilespmem:$0x1FCF0]  }
0x117: {  	[tilespmem:s23+$0x5800] =	vst v35  }
0x118: {  	s25 =	simm.s32 $0x20;
	[tilespmem:s23+$0x7800] =	vst v31;
	v15 =	vmul.f32 v21, v15  }
0x119: {  	v39 =	vld [tilespmem:s25+$0x2800]  }
0x11a: {  	v14 =	vadd.s32 $0x7FFF, v14;
	v41 =	vadd.f32 v17, v15;
	v15 =	vld [tilespmem:$0x1FD90]  }
0x11b: {  	v23 =	vmul.f32 v16, v25;
	v16 =	vand.u32 $0xFFFF0000, v14;
	v14 =	vld [tilespmem:$0x1FE10];
	_ =	sdelay $0x3  }
0x11c: {  	v19 =	vld [tilespmem:s25+$0x3800];
	v42 =	vmul.f32 v21, v15;
	v15 =	vshrl.u32 v39, $0x10  }
0x11d: {  	v15 =	vand.u32 $0x1, v15;
	v18 =	vmul.f32 v16, v14  }
0x11e: {  	v14 =	vadd.f32 v23, v20;
	v23 =	vadd.s32 v15, v39;
	v15 =	vld [tilespmem:$0x1FE00]  }
0x11f: {  	v27 =	vadd.f32 v41, v18;
	v18 =	vld [tilespmem:$0x1FDC0]  }
0x120: {  	v20 =	vld [tilespmem:s25+$0x4800]  }
0x121: {  	v17 =	vshrl.u32 v19, $0x10  }
0x122: {  	v17 =	vand.u32 $0x1, v17  }
0x123: {  	v44 =	vadd.s32 v17, v19;
	v17 =	vmul.f32 v21, v40;
	v21 =	vadd.s32 $0x7FFF, v23  }
0x124: {  	v21 =	vand.u32 $0xFFFF0000, v21;
	v15 =	vmul.f32 v38, v15;
	v43 =	vmul.f32 v22, v18  }
0x125: {  	v23 =	vshrl.u32 v20, $0x10;
	v18 =	vmul.f32 v22, v25;
	v22 =	vadd.s32 $0x7FFF, v44  }
0x126: {  	s26 =	simm.s32 $0xC0;
	[tilespmem:s24+$0x7800] =	vst v27;
	v23 =	vand.u32 $0x1, v23;
	v22 =	vand.u32 $0xFFFF0000, v22;
	v19 =	vadd.f32 v43, v42  }
.LBB2_3:
0x127: {  	v20 =	vadd.s32 v23, v20;
	v23 =	vld [tilespmem:$0x1FD20]  }
0x128: {  	v24 =	vld [tilespmem:$0x1FD50]  }
0x129: {  	v25 =	vld [tilespmem:$0x1FD00]  }
0x12a: {  	v26 =	vld [tilespmem:$0x1FD30]  }
0x12b: {  	v27 =	vld [tilespmem:$0x1FD10]  }
0x12c: {  	v38 =	vld [tilespmem:$0x1FD40];
	_ =	sdelay $0x2  }
0x12d: {  	v23 =	vmul.f32 v21, v23;
	v24 =	vmul.f32 v22, v24  }
0x12e: {  	v25 =	vmul.f32 v21, v25;
	v26 =	vmul.f32 v22, v26  }
0x12f: {  	v39 =	vld [tilespmem:$0x1FD60];
	v21 =	vmul.f32 v21, v27;
	v22 =	vmul.f32 v22, v38  }
0x130: {  	v40 =	vld [tilespmem:$0x1FD80]  }
0x131: {  	v21 =	vadd.f32 v22, v21;
	v22 =	vld [tilespmem:$0x1FD70];
	_ =	sdelay $0x1  }
0x132: {  	v20 =	vadd.s32 $0x7FFF, v20  }
0x133: {  	v20 =	vand.u32 $0xFFFF0000, v20  }
0x134: {  	v41 =	vld [tilespmem:$0x1FF60];
	v23 =	vadd.f32 v24, v23;
	v24 =	vmul.f32 v20, v40  }
0x135: {  	v28 =	vld [tilespmem:$0x1FEC0];
	v27 =	vmul.f32 v20, v39;
	v20 =	vmul.f32 v20, v22  }
0x136: {  	v22 =	vadd.f32 v24, v23;
	v23 =	vld [tilespmem:$0x1FDF0]  }
0x137: {  	v20 =	vadd.f32 v20, v21;
	v21 =	vld [tilespmem:$0x1FE00]  }
0x138: {  	v31 =	vld [tilespmem:$0x1FEB0]  }
0x139: {  	v34 =	vld [tilespmem:$0x1FEA0]  }
0x13a: {  	v37 =	vld [tilespmem:$0x1FE90]  }
0x13b: {  	v44 =	vld [tilespmem:$0x1FE30];
	v23 =	vmul.f32 v16, v23  }
0x13c: {  	v40 =	vld [tilespmem:$0x1FE20];
	v16 =	vmul.f32 v16, v21  }
0x13d: {  	v24 =	vmax.f32 v20, v41;
	v41 =	vld [tilespmem:$0x1FE80];
	v19 =	vadd.f32 v19, v23  }
0x13e: {  	v25 =	vadd.f32 v26, v25;
	v21 =	vadd.f32 v14, v15;
	v15 =	vmov v16;
	v16 =	vld [tilespmem:$0x1FEF0]  }
0x13f: {  	[tilespmem:s24+$0x5800] =	vst v19;
	v19 =	vld [tilespmem:$0x1FEE0]  }
0x140: {  	v17 =	vadd.f32 v18, v17;
	v18 =	vadd.f32 v27, v25;
	[tilespmem:s23+$0x6800] =	vst v21;
	v21 =	vld [tilespmem:$0x1FED0];
	_ =	sdelay $0x1  }
0x141: {  	vm1 =	vlt.f32 v18, v8;
	vm2 =	vgt.f32 v18, v11;
	v28 =	vmax.f32 v18, v28  }
0x142: {  	v31 =	vmax.f32 v18, v31;
	v34 =	vmax.f32 v18, v34;
	v37 =	vmax.f32 v18, v37  }
0x143: {  	v42 =	vld [tilespmem:$0x1FF50];
	v40 =	vmul.f32 v18, v40;
	v16 =	vmax.f32 v18, v16;
	v19 =	vmax.f32 v18, v19  }
0x144: {  	v21 =	vmax.f32 v18, v21;
	v18 =	vmax.f32 v18, v41;
	v41 =	vmul.f32 v20, v44;
	v44 =	vld [tilespmem:$0x1FE50]  }
0x145: {  	v43 =	vld [tilespmem:$0x1FFC0]  }
0x146: {  	v30 =	vld [tilespmem:$0x1FFB0]  }
0x147: {  	v33 =	vld [tilespmem:$0x1FFA0]  }
0x148: {  	v36 =	vld [tilespmem:$0x1FF90]  }
0x149: {  	v40 =	vadd.f32 v40, v44;
	v44 =	vld [tilespmem:$0x1FE60]  }
0x14a: {  	v39 =	vld [tilespmem:$0x1FF80]  }
0x14b: {  	v26 =	vmax.f32 v20, v42;
	v42 =	vld [tilespmem:$0x1FF00]  }
0x14c: {  	v37 =	vmul.f32 v37, v46;
	v27 =	vmax.f32 v22, v43;
	v43 =	vld [tilespmem:$0x1FE40]  }
0x14d: {  	v38 =	vld [tilespmem:$0x1FF10];
	v34 =	vmul.f32 v34, v51;
	v31 =	vmul.f32 v31, v48  }
0x14e: {  	v28 =	vmul.f32 v28, v52;
	v25 =	vmax.f32 v22, v45;
	v41 =	vadd.f32 v41, v44;
	v44 =	vld [tilespmem:$0x1FE70]  }
0x14f: {  	v35 =	vld [tilespmem:$0x1FF20];
	v30 =	vmax.f32 v22, v30;
	v33 =	vmax.f32 v22, v33;
	v39 =	vmax.f32 v22, v39  }
0x150: {  	v39 =	vmul.f32 v39, v0;
	v42 =	vmax.f32 v20, v42;
	v18 =	vmul.f32 v18, v50  }
0x151: {  	v32 =	vld [tilespmem:$0x1FF30];
	v36 =	vmax.f32 v22, v36;
	v43 =	vmul.f32 v22, v43;
	v42 =	vmul.f32 v42, v56  }
0x152: {  	v36 =	vmul.f32 v36, v1;
	v38 =	vmax.f32 v20, v38;
	v18 =	vadd.f32 v18, v40  }
0x153: {  	v29 =	vld [tilespmem:$0x1FF40];
	v38 =	vmul.f32 v38, v57;
	v43 =	vadd.f32 v43, v44;
	v44 =	vadd.f32 v42, v41  }
0x154: {  	v33 =	vmul.f32 v33, v2;
	v35 =	vmax.f32 v20, v35;
	v18 =	vadd.f32 v18, v37  }
0x155: {  	v35 =	vmul.f32 v35, v58;
	v39 =	vadd.f32 v39, v43;
	v43 =	vadd.f32 v44, v38  }
0x156: {  	v30 =	vmul.f32 v30, v3;
	v27 =	vmul.f32 v27, v4;
	v32 =	vmax.f32 v20, v32  }
0x157: {  	v32 =	vmul.f32 v32, v59;
	v18 =	vadd.f32 v18, v34;
	v44 =	vadd.f32 v43, v35  }
0x158: {  	v25 =	vmul.f32 v25, v5;
	v29 =	vmax.f32 v20, v29;
	v36 =	vadd.f32 v39, v36  }
0x159: {  	v29 =	vmul.f32 v29, v60;
	v14 =	vmovc v17;
	v17 =	vld [tilespmem:$0x1FF70];
	v18 =	vadd.f32 v18, v31;
	v35 =	vadd.f32 v44, v32  }
0x15a: {  	vm3 =	vlt.f32 v20, v9;
	v26 =	vmul.f32 v26, v61;
	v33 =	vadd.f32 v36, v33  }
0x15b: {  	v21 =	vmul.f32 v21, v53;
	v18 =	vadd.f32 v18, v28;
	v36 =	vadd.f32 v35, v29  }
0x15c: {  	vm4 =	vgt.f32 v20, v12;
	v24 =	vmul.f32 v24, v62;
	v30 =	vadd.f32 v33, v30  }
0x15d: {  	v19 =	vmul.f32 v19, v54;
	v18 =	vadd.f32 v18, v21;
	v21 =	vadd.f32 v36, v26  }
0x15e: {  	v23 =	vmax.f32 v22, v49;
	v17 =	vmax.f32 v20, v17;
	v27 =	vadd.f32 v30, v27  }
0x15f: {  	v17 =	vmul.f32 v17, v63;
	v18 =	vadd.f32 v18, v19;
	v19 =	vadd.f32 v21, v24  }
0x160: {  	v23 =	vmul.f32 v23, v6;
	v16 =	vmul.f32 v16, v55;
	v25 =	vadd.f32 v27, v25  }
0x161: {  	vm14 =	vmor vm3, vm4;
	v21 =	vmax.f32 v22, v47;
	v17 =	vadd.f32 v19, v17  }
0x162: {  	v16 =	vadd.f32 v18, v16;
	v18 =	vmul.f32 v21, v7;
	v20 =	vadd.f32 v25, v23  }
0x163: {  	v17 =	vsel vm14, $0x42C60000, v17  }
0x164: {  	v18 =	vadd.f32 v20, v18;
	v20 =	vshrl.u32 v17, $0x10  }
0x165: {  	v20 =	vand.u32 $0x1, v20  }
0x166: {  	vm1 =	vmor vm1, vm2;
	v17 =	vadd.s32 v20, v17  }
0x167: {  	vm0 =	vlt.f32 v22, v10;
	v16 =	vsel vm1, $0x42C60000, v16;
	v17 =	vadd.s32 $0x7FFF, v17  }
0x168: {  	vm15 =	vgt.f32 v22, v13;
	v19 =	vshrl.u32 v16, $0x10;
	v37 =	vand.u32 $0xFFFF0000, v17;
	v17 =	vld [tilespmem:$0x1FDB0]  }
0x169: {  	vm0 =	vmor vm0, vm15;
	v19 =	vand.u32 $0x1, v19  }
0x16a: {  	v16 =	vadd.s32 v19, v16;
	v18 =	vsel vm0, $0x42C60000, v18  }
0x16b: {  	v16 =	vadd.s32 $0x7FFF, v16;
	v19 =	vshrl.u32 v18, $0x10  }
0x16c: {  	v23 =	vand.u32 $0xFFFF0000, v16;
	v19 =	vand.u32 $0x1, v19  }
0x16d: {  	v16 =	vadd.s32 v19, v18;
	v18 =	vmul.f32 v23, v17;
	v17 =	vld [tilespmem:$0x1FDE0];
	_ =	sdelay $0x4  }
0x16e: {  	v19 =	vmul.f32 v37, v17;
	v17 =	vld [tilespmem:$0x1FD90];
	_ =	sdelay $0x4  }
0x16f: {  	v38 =	vmul.f32 v23, v17;
	v17 =	vld [tilespmem:$0x1FDC0]  }
0x170: {  	s23 =	smov.u32 s24;
	s24 =	smov.u32 s25;
	s25 =	sshra.s32 s26, $0x2  }
0x171: {  	v22 =	vld [tilespmem:s25+$0x3800]  }
0x172: {  	v21 =	vld [tilespmem:s25+$0x2800]  }
0x173: {  	v19 =	vadd.f32 v19, v18;
	v18 =	vld [tilespmem:$0x1FE10]  }
0x174: {  	v39 =	vmul.f32 v37, v17;
	v17 =	vld [tilespmem:$0x1FDA0];
	_ =	sdelay $0x2  }
0x175: {  	v16 =	vadd.s32 $0x7FFF, v16  }
0x176: {  	v41 =	vshrl.u32 v22, $0x10;
	v20 =	vld [tilespmem:s25+$0x4800];
	v16 =	vand.u32 $0xFFFF0000, v16  }
0x177: {  	p0 =	sne.s32 s26, $0x3FC0;
	v40 =	vshrl.u32 v21, $0x10;
	v17 =	vmul.f32 v23, v17;
	v23 =	vmul.f32 v16, v18;
	v18 =	vld [tilespmem:$0x1FDD0]  }
.Ltmp0:
0x178: {  	v43 =	vand.u32 $0x1, v41;
	v42 =	vand.u32 $0x1, v40;
	(pc) =	sbr.rel @p0 .LBB2_3-.Ltmp0, $4  }
0x179: {  	v22 =	vadd.s32 v43, v22;
	v21 =	vadd.s32 v42, v21  }
0x17a: {  	v22 =	vadd.s32 $0x7FFF, v22;
	v21 =	vadd.s32 $0x7FFF, v21;
	v23 =	vadd.f32 v19, v23  }
0x17b: {  	v22 =	vand.u32 $0xFFFF0000, v22;
	v21 =	vand.u32 $0xFFFF0000, v21;
	v44 =	vshrl.u32 v20, $0x10  }
0x17c: {  	s26 =	sadd.s32 $0x40, s26;
	v19 =	vadd.f32 v39, v38;
	[tilespmem:s24+$0x7800] =	vst v23;
	v23 =	vand.u32 $0x1, v44;
	v18 =	vmul.f32 v37, v18  }
0x17d: {  	v39 =	vld [tilespmem:$0x1FD20]  }
0x17e: {  	v24 =	vld [tilespmem:$0x1FD50]  }
0x17f: {  	v25 =	vld [tilespmem:$0x1FD00]  }
0x180: {  	v26 =	vld [tilespmem:$0x1FD30]  }
0x181: {  	v27 =	vld [tilespmem:$0x1FD10]  }
0x182: {  	v41 =	vld [tilespmem:$0x1FD40]  }
0x183: {  	v43 =	vld [tilespmem:$0x1FD60]  }
0x184: {  	v30 =	vld [tilespmem:$0x1FD80]  }
0x185: {  	v31 =	vld [tilespmem:$0x1FD70]  }
0x186: {  	v29 =	vld [tilespmem:$0x1FDF0]  }
0x187: {  	v14 =	vadd.f32 v14, v15;
	v15 =	vld [tilespmem:$0x1FE20]  }
0x188: {  	v20 =	vadd.s32 v23, v20;
	v33 =	vld [tilespmem:$0x1FE90];
	v23 =	vmul.f32 v21, v39  }
0x189: {  	v34 =	vld [tilespmem:$0x1FE80];
	v20 =	vadd.s32 $0x7FFF, v20;
	v25 =	vmul.f32 v21, v25;
	v26 =	vmul.f32 v22, v26  }
0x18a: {  	v35 =	vld [tilespmem:$0x1FE30];
	v20 =	vand.u32 $0xFFFF0000, v20;
	v40 =	vmul.f32 v21, v27;
	v42 =	vmul.f32 v22, v41  }
0x18b: {  	v36 =	vld [tilespmem:$0x1FF00];
	v24 =	vmul.f32 v22, v24;
	v27 =	vmul.f32 v20, v43;
	v44 =	vadd.f32 v26, v25  }
0x18c: {  	v38 =	vld [tilespmem:$0x1FE40];
	v25 =	vmul.f32 v20, v30;
	v21 =	vadd.f32 v42, v40;
	v20 =	vmul.f32 v20, v31  }
0x18d: {  	v37 =	vld [tilespmem:$0x1FE50];
	v32 =	vmul.f32 v16, v29;
	v23 =	vadd.f32 v24, v23;
	v24 =	vadd.f32 v27, v44  }
0x18e: {  	v28 =	vld [tilespmem:$0x1FE60];
	v20 =	vadd.f32 v20, v21  }
0x18f: {  	v39 =	vld [tilespmem:$0x1FF10];
	v19 =	vadd.f32 v19, v32;
	v23 =	vadd.f32 v25, v23;
	v15 =	vmul.f32 v24, v15  }
0x190: {  	v30 =	vld [tilespmem:$0x1FE70];
	v21 =	vmax.f32 v24, v33;
	v22 =	vmax.f32 v24, v34;
	v25 =	vmul.f32 v20, v35  }
0x191: {  	v40 =	vld [tilespmem:$0x1FF80];
	v26 =	vmax.f32 v20, v36;
	v27 =	vmul.f32 v23, v38;
	v38 =	vmax.f32 v23, v45  }
0x192: {  	v41 =	vld [tilespmem:$0x1FF90];
	vm0 =	vlt.f32 v24, v8;
	vm1 =	vgt.f32 v24, v11;
	vm13 =	vlt.f32 v20, v9  }
0x193: {  	v43 =	vld [tilespmem:$0x1FEA0];
	vm2 =	vgt.f32 v20, v12;
	v22 =	vmul.f32 v22, v50;
	v26 =	vmul.f32 v26, v56  }
0x194: {  	v44 =	vld [tilespmem:$0x1FF20];
	v21 =	vmul.f32 v21, v46;
	v15 =	vadd.f32 v15, v37;
	v25 =	vadd.f32 v25, v28  }
0x195: {  	v42 =	vld [tilespmem:$0x1FFA0];
	v28 =	vmax.f32 v20, v39;
	v27 =	vadd.f32 v27, v30;
	v39 =	vmax.f32 v23, v49  }
0x196: {  	v30 =	vld [tilespmem:$0x1FEB0];
	v28 =	vmul.f32 v28, v57;
	v15 =	vadd.f32 v22, v15;
	v22 =	vmax.f32 v23, v40  }
0x197: {  	v32 =	vld [tilespmem:$0x1FF30];
	v25 =	vadd.f32 v26, v25;
	v26 =	vmax.f32 v23, v41;
	v22 =	vmul.f32 v22, v0  }
0x198: {  	v31 =	vld [tilespmem:$0x1FEC0];
	v26 =	vmul.f32 v26, v1;
	v15 =	vadd.f32 v15, v21;
	v21 =	vmax.f32 v24, v43  }
0x199: {  	v33 =	vld [tilespmem:$0x1FFB0];
	v25 =	vadd.f32 v25, v28;
	v28 =	vmax.f32 v20, v44;
	v22 =	vadd.f32 v22, v27  }
0x19a: {  	v34 =	vld [tilespmem:$0x1FF40];
	v27 =	vmax.f32 v23, v42;
	v21 =	vmul.f32 v21, v51;
	v28 =	vmul.f32 v28, v58  }
0x19b: {  	v35 =	vld [tilespmem:$0x1FED0];
	v27 =	vmul.f32 v27, v2;
	v22 =	vadd.f32 v22, v26;
	v26 =	vmax.f32 v24, v30  }
0x19c: {  	v36 =	vld [tilespmem:$0x1FFC0];
	v15 =	vadd.f32 v15, v21;
	v25 =	vadd.f32 v25, v28;
	v28 =	vmax.f32 v20, v32  }
0x19d: {  	v37 =	vld [tilespmem:$0x1FF50];
	v21 =	vmax.f32 v24, v31;
	v26 =	vmul.f32 v26, v48;
	v28 =	vmul.f32 v28, v59  }
0x19e: {  	v21 =	vmul.f32 v21, v52;
	v22 =	vadd.f32 v22, v27;
	v27 =	vmax.f32 v23, v33  }
0x19f: {  	v40 =	vld [tilespmem:$0x1FEE0];
	v15 =	vadd.f32 v15, v26;
	v26 =	vmax.f32 v20, v34;
	v27 =	vmul.f32 v27, v3  }
0x1a0: {  	v41 =	vld [tilespmem:$0x1FF60];
	v25 =	vadd.f32 v25, v28;
	v28 =	vmax.f32 v24, v35;
	v26 =	vmul.f32 v26, v60  }
0x1a1: {  	v43 =	vld [tilespmem:$0x1FF70];
	v28 =	vmul.f32 v28, v53;
	v22 =	vadd.f32 v22, v27;
	v27 =	vmax.f32 v23, v36  }
0x1a2: {  	v42 =	vld [tilespmem:$0x1FEF0];
	v15 =	vadd.f32 v15, v21;
	v21 =	vmax.f32 v20, v37;
	v27 =	vmul.f32 v27, v4  }
0x1a3: {  	v25 =	vadd.f32 v25, v26;
	v21 =	vmul.f32 v21, v61;
	v26 =	vmul.f32 v38, v5  }
0x1a4: {  	v15 =	vadd.f32 v15, v28;
	v28 =	vmax.f32 v24, v40;
	v22 =	vadd.f32 v22, v27  }
0x1a5: {  	v21 =	vadd.f32 v25, v21;
	v25 =	vmax.f32 v20, v41;
	v28 =	vmul.f32 v28, v54  }
0x1a6: {  	v27 =	vmul.f32 v39, v6;
	v25 =	vmul.f32 v25, v62;
	v22 =	vadd.f32 v22, v26  }
0x1a7: {  	v26 =	vmax.f32 v24, v42;
	v15 =	vadd.f32 v15, v28;
	v28 =	vmax.f32 v20, v43  }
0x1a8: {  	v26 =	vmul.f32 v26, v55;
	v21 =	vadd.f32 v21, v25;
	v44 =	vmul.f32 v28, v63  }
0x1a9: {  	vm14 =	vlt.f32 v23, v10;
	v28 =	vmax.f32 v23, v47;
	v22 =	vadd.f32 v22, v27  }
0x1aa: {  	v34 =	vld [tilespmem:$0x1FDB0];
	v30 =	vmul.f32 v28, v7;
	v15 =	vadd.f32 v15, v26;
	v21 =	vadd.f32 v21, v44  }
0x1ab: {  	vm15 =	vgt.f32 v23, v13;
	vm0 =	vmor vm0, vm1;
	vm1 =	vmor vm13, vm2;
	v35 =	vld [tilespmem:$0x1FDE0]  }
0x1ac: {  	v36 =	vld [tilespmem:$0x1FD90];
	v20 =	vadd.f32 v22, v30;
	v15 =	vsel vm0, $0x42C60000, v15;
	v21 =	vsel vm1, $0x42C60000, v21  }
0x1ad: {  	v37 =	vld [tilespmem:$0x1FDC0];
	vm0 =	vmor vm14, vm15;
	v31 =	vshrl.u32 v15, $0x10;
	v32 =	vshrl.u32 v21, $0x10  }
0x1ae: {  	v38 =	vld [tilespmem:$0x1FDA0];
	v20 =	vsel vm0, $0x42C60000, v20;
	v22 =	vand.u32 $0x1, v31;
	v23 =	vand.u32 $0x1, v32  }
0x1af: {  	v39 =	vld [tilespmem:$0x1FE10];
	v33 =	vshrl.u32 v20, $0x10;
	v15 =	vadd.s32 v22, v15;
	v21 =	vadd.s32 v23, v21  }
0x1b0: {  	v40 =	vld [tilespmem:$0x1FDD0];
	v22 =	vand.u32 $0x1, v33;
	v15 =	vadd.s32 $0x7FFF, v15;
	v21 =	vadd.s32 $0x7FFF, v21  }
0x1b1: {  	v43 =	vld [tilespmem:$0x1FE00];
	v20 =	vadd.s32 v22, v20;
	v15 =	vand.u32 $0xFFFF0000, v15;
	v21 =	vand.u32 $0xFFFF0000, v21  }
0x1b2: {  	v20 =	vadd.s32 $0x7FFF, v20;
	v22 =	vmul.f32 v15, v34;
	v23 =	vmul.f32 v21, v35  }
0x1b3: {  	v20 =	vand.u32 $0xFFFF0000, v20;
	v24 =	vmul.f32 v15, v36;
	v25 =	vmul.f32 v21, v37  }
0x1b4: {  	v15 =	vmul.f32 v15, v38;
	v22 =	vadd.f32 v23, v22;
	v23 =	vmul.f32 v20, v39  }
0x1b5: {  	v21 =	vmul.f32 v21, v40;
	v41 =	vmul.f32 v20, v29;
	v24 =	vadd.f32 v25, v24  }
0x1b6: {  	v17 =	vadd.f32 v18, v17;
	[tilespmem:s24+$0x5800] =	vst v19;
	v44 =	vmul.f32 v16, v43;
	v42 =	vadd.f32 v22, v23  }
0x1b7: {  	[tilespmem:s23+$0x6800] =	vst v14;
	v19 =	vmul.f32 v20, v43;
	v14 =	vadd.f32 v21, v15;
	v15 =	vadd.f32 v24, v41  }
0x1b8: {  	v16 =	vadd.f32 v17, v44;
	[tilespmem:s25+$0x7800] =	vst v42  }
0x1b9: {  	s29 =	sadd.s32 s22, s8;
	v14 =	vadd.f32 v14, v19;
	[tilespmem:s25+$0x5800] =	vst v15  }
0x1ba: {  	s23 =	sshrl.u32 s29, $0x3;
	[tilespmem:s24+$0x6800] =	vst v16  }
0x1bb: {  	s23 =	sadd.s32 s4, s23;
	[tilespmem:s25+$0x6800] =	vst v14  }
0x1bc: {  	[hbm4b:s23+s3] =	stream.linear.scatter [tilespmem:s17], [sflag:$0x1], $0x1000, $0x38;
	[tilespmem:$0x8800] =	vst v63  }
0x1bd: {  	s30 =	sadd.s32 s22, s10;
	_ =	swait.ge [sflag:s13], $0x1000  }
0x1be: {  	s23 =	sshrl.u32 s30, $0x3;
	[sflag:s13] =	ssyncset.done $0x0  }
0x1bf: {  	s23 =	sadd.s32 s4, s23;
	[sflag:s13] =	ssyncadd.s32 $0xFFFFF000  }
0x1c0: {  	[hbm4b:s23+s3] =	stream.linear.scatter [tilespmem:s18], [sflag:$0x1], $0x1000, $0x38;
	[tilespmem:$0x8800] =	vst v63  }
0x1c1: {  	s31 =	sadd.s32 s22, s11;
	s21 =	sadd.s32 $0x1, s21;
	_ =	swait.ge [sflag:s13], $0x1000  }
0x1c2: {  	s22 =	sshrl.u32 s31, $0x3;
	p0 =	sne.s32 s21, $0x7;
	[sflag:s13] =	ssyncset.done $0x0  }
.Ltmp1:
0x1c3: {  	s22 =	sadd.s32 s4, s22;
	[sflag:s13] =	ssyncadd.s32 $0xFFFFF000;
	(pc) =	sbr.rel @p0 .LBB2_2-.Ltmp1, $4  }
0x1c4: {  	[hbm4b:s22+s3] =	stream.linear.scatter [tilespmem:s19], [sflag:$0x1], $0x1000, $0x38;
	[tilespmem:$0x8800] =	vst v63  }
0x1c5: {  	_ =	swait.ge [sflag:s13], $0x1000  }
0x1c6: {  	[sflag:s13] =	ssyncset.done $0x0  }
0x1c7: {  	[sflag:s13] =	ssyncadd.s32 $0xFFFFF000  }
0x1c8: {  	s20 =	sadd.s32 $0x1, s20  }
0x1c9: {  	p0 =	sne.s32 s20, s12  }
.Ltmp2:
0x1ca: {  	_ = 	snop;
	(pc) =	sbr.rel @p0 .LBB2_1-.Ltmp2, $1  }
0x1cb: {  	_ =	sdelay $0x3  }
0x1cc: {  	_ =	sfence.sel $0x180000  }
0x1cd: {  	[bflag:$0x0] =	sbarrier.arrive $0xFFFF  }
0x1ce: {  	p0 =	sne.s32 s1, $0x0;
	_ =	strace $0x9000004A  }
0x1cf: {  	s0 =	sadd.s32 @!p0 $0x100000, s0;
	[bflag:$0x2] =	sbarrier.arrive $0xFFFF  }
0x1d0: {  	[sflag:s0] =	ssyncadd.tile.s32 @!p0 $0x1;
	_ =	shalt  }
.Lfunc_end2:
_tile_overlayer_lowered:
.L_overlay_start_2:
0x1d1: {  	(tag) =	ssettag $0x2  }
0x1d2: {  	s0 =	rddreg [dreg:$0x0];
	s2 =	stileid.u32  }
0x1d3: {  	s1 =	rddreg [dreg:$0x1];
	p0 =	sne.s32 s2, $0x0  }
0x1d4: {  	s3 =	rddreg [dreg:$0x2];
	[bflag:$0x3] =	sbarrier.arrive $0xFFFF;
	s2 =	simm.s32 @!p0 $0x1C01  }
0x1d5: {  	[timem:s3], [sflag:s2] =	dma.local @!p0 [hbm:s0], s1  }
0x1d6: {  	s0 =	simm.s32 @!p0 $0x1  }
0x1d7: {  	_ =	swait.ge @!p0 [sflag:s0], s1  }
0x1d8: {  	s1 =	ssub.s32 @!p0 $0x0, s1;
	[sflag:s0] =	ssyncset.done @!p0 $0x0  }
0x1d9: {  	[sflag:s0] =	ssyncadd.s32 @!p0 s1  }
0x1da: {  	[bflag:$0x3] =	sbarrier.arrive $0xFFFF  }
0x1db: {  	_ =	shalt  }

// kernel: sparse-core-data-format-call.cloned.1.call-start
scs
called_computation_lowered:
.L_overlay_start_0:
0x0: {  	s2 =	sld [smem:$0x3FD9]  }
0x1: {  	s3 =	sld [smem:$0x3FFE];
	_ =	sdelay $0x1  }
0x2: {  	s1 =	srdreg.scid  }
0x3: {  	s0 =	sand.u32 $0x1, s1  }
0x4: {  	s19 =	sshll.u32 s0, $0xA;
	s2 =	sadd.s32 s3, s2  }
0x5: {  	s2 =	sadd.s32 s2, s19  }
0x6: {  	[smem:$0x3FC5] =	sst s2  }
0x7: {  	_ = 	snop  }
0x8: {  	s2 =	sld [smem:$0x3FC9]  }
0x9: {  	s20 =	sld [smem:$0x3FD0];
	(tm) =	ssettm $0x1  }
0xa: {  	s4 =	sld [smem:$0x3FFB];
	_ =	sdelay $0x3  }
0xb: {  	_ =	strace s4  }
0xc: {  	s4 =	sld [smem:$0x3FFC];
	_ =	sdelay $0x3  }
0xd: {  	_ =	strace s4  }
0xe: {  	s4 =	sld [smem:$0x3FFD];
	_ =	sdelay $0x3  }
0xf: {  	_ =	strace s4  }
0x10: {  	_ =	strace $0x8FFFFFFF  }
0x11: {  	s21 =	sld [smem:$0x3FDB];
	_ =	sdelay $0x1  }
0x12: {  	s5 =	simm.s32 $_scs_section_size  }
0x13: {  	s6 =	simm.s32 $_size__tile_overlayer_lowered;
	s7 =	simm.s32 $_tile_overlayer_lowered  }
0x14: {  	s24 =	simm.s32 $0x1BFF;
	s23 =	sshll.u32 s7, $0x1;
	s4 =	sadd.s32 s5, s21  }
0x15: {  	s8 =	simm.s32 $0x0;
	s22 =	sshll.u32 s6, $0x1;
	s6 =	sadd.s32 s23, s4  }
0x16: {  	[timem:s8], [sflag:s24] =	dma.local [hbm:s6], s22  }
0x17: {  	_ =	swait.ge [sflag:s24], s22  }
0x18: {  	s5 =	ssub.s32 $0x0, s22;
	[sflag:s24] =	ssyncset.done $0x0  }
0x19: {  	[sflag:s24] =	ssyncadd.s32 s5;
	_ =	sdelay $0x1  }
0x1a: {  	s25 =	simm.s32 $0x1B8B  }
0x1b: {  	_ =	swait.ge [sflag:s25], $0x1  }
0x1c: {  	[sflag:s25] =	ssyncset.done $0x0  }
0x1d: {  	s26 =	simm.s32 $0x1B8E;
	[sflag:s25] =	ssyncadd.s32 $0xFFFFFFFF  }
0x1e: {  	s27 =	simm.s32 $execute0_lowered;
	[smem:$0x3FD2] =	sst s26  }
0x1f: {  	s5 =	sshll.u32 s27, $0x1;
	_ =	strace $0x80000046;
	[dreg:$0x1] =	wrdreg $0xFFFFFFFF  }
0x20: {  	s28 =	simm.s32 $_size_execute0_lowered;
	s4 =	sadd.s32 s4, s5;
	[dreg:$0x0] =	wrdreg $0x0  }
0x21: {  	s5 =	sshll.u32 s28, $0x1;
	[dreg:$0x2] =	wrdreg s4  }
0x22: {  	[dreg:$0x3] =	wrdreg s5  }
0x23: {  	[dreg:$0x4] =	wrdreg $0xC0  }
0x24: {  	_ =	task [dreg:s8], $0x5FFFF  }
0x25: {  	[dreg:$0x1] =	wrdreg $0xFFFFFFFF  }
0x26: {  	[dreg:$0x0] =	wrdreg $0x60  }
0x27: {  	[dreg:$0x2] =	wrdreg s2  }
0x28: {  	[dreg:$0x3] =	wrdreg s20  }
0x29: {  	[dreg:$0x4] =	wrdreg $0x9  }
0x2a: {  	_ =	task.clear_ibuf [dreg:s8], $0x5FFFF;
	_ =	strace $0x90000046  }
0x2b: {  	s29 =	simm.s32 $0x9;
	_ =	strace $0x80000048  }
0x2c: {  	_ =	swait.ge [sflag:s29], $0x1  }
0x2d: {  	[sflag:s29] =	ssyncadd.s32 $0xFFFFFFFF  }
0x2e: {  	_ =	strace $0x90000048  }
0x2f: {  	_ =	sfence  }
0x30: {  	s30 =	sld [smem:$0x0];
	_ =	sdelay $0x2  }
0x31: {  	s31 =	sshll.u32 s1, $0xD;
	s1 =	sshrl.u32 s1, $0x2  }
0x32: {  	s3 =	sand.u32 $0x4000, s31;
	s1 =	sadd.s32 s1, s30  }
0x33: {  	s0 =	sor.u32 s3, s0;
	s1 =	sshll.u32 s1, $0x11  }
0x34: {  	s0 =	sor.u32 s1, s0  }
0x35: {  	s0 =	sadd.s32 $0x8F2B, s0  }
0x36: {  	[sflag:s0] =	ssyncadd.remote.s32 $0x1  }
0x37: {  	_ =	sfence.sel $0xFFFF  }
0x38: {  	[dreg:$0x0] =	wrdreg $0xFFFFFFFF;
	(pc) =	sbr.abs _section_cstart, $3  }
0x39: {  	[dreg:$0x1] =	wrdreg $0xFFFFFFFF  }
0x3a: {  	_ =	task.clear_ibuf [dreg:s8], $0x2FFFF;
	_ =	strace $0x9FFFFFFF  }
0x3b: {  	(tm) =	ssettm $0x7FFFFFFF  }
tec
execute0_lowered:
.L_overlay_start_1:
0x0: {  	(tag) =	ssettag $0x1  }
0x1: {  	s0 =	srdreg.scid  }
0x2: {  	s1 =	sshll.u32 s0, $0x4  }
0x3: {  	s2 =	rddreg [dreg:$0x0];
	s0 =	stileid.u32;
	s1 =	sand.u32 $0x10, s1  }
0x4: {  	s4 =	rddreg [dreg:$0x1];
	s1 =	sor.u32 s0, s1  }
0x5: {  	s7 =	simm.s32 $0x1;
	s8 =	simm.s32 $0x2;
	s3 =	sshll.u32 s1, $0x2  }
0x6: {  	s9 =	simm.s32 $0x0;
	s12 =	simm.s32 $0x0;
	s6 =	ssub.s32 $0xC00, s3  }
.Ltmp0:
0x7: {  	s11 =	simm.s32 $0x0;
	s5 =	sand.u32 $0x7C, s6;
	(pc) =	sbr.rel .LBB1_1-.Ltmp0, $4  }
0x8: {  	s1 =	rddreg [dreg:$0x2];
	_ =	strace $0x80000047;
	p0 =	sne.s32 s5, $0x0  }
0x9: {  	s6 =	sshrl.u32 s6, $0x7;
	s5 =	simm.s32 $0x1;
	s7 =	simm.s32 @!p0 $0x0  }
0xa: {  	s10 =	smov.u32 s3;
	[sflag:s5] =	ssyncpa.u1 $0x0;
	s6 =	sadd.s32 s7, s6  }
0xb: {  	[sflag:s8] =	ssyncpa.u1 $0x0;
	s8 =	simm.s32 $0x0;
	s7 =	sadd.s32 $0x1, s6  }
.LBB1_9:
0xc: {  	s14 =	sadd.s32 $0x80, s10  }
0xd: {  	p1 =	sgt.s32 s14, $0xBFF  }
0xe: {  	s14 =	smov.u32 @p1 s3;
	p1 =	sne.s32 s11, s7  }
.Ltmp1:
0xf: {  	p0 =	slt.u32 s11, $0x2;
	(pc) =	sbr.rel @!p1 .LBB1_10-.Ltmp1, $4  }
0x10: {  	s13 =	simm.s32 @!p0 $0x2  }
0x11: {  	s15 =	sadd.s32 $0x1, s11;
	_ =	swait.ge @!p0 [sflag:s13], $0x4000  }
0x12: {  	s12 =	smov.u32 s10;
	s9 =	sadd.s32 $0x4000, s9;
	[sflag:s13] =	ssyncset.done @!p0 $0x0  }
0x13: {  	s11 =	smov.u32 s15;
	s10 =	smov.u32 s14;
	[sflag:s13] =	ssyncadd.s32 @!p0 $0xFFFFC000  }
.LBB1_1:
0x14: {  	p0 =	sge.u32 s11, s6  }
0x15: {  	s13 =	sxor.u32 @!p0 $0xFFFFFFFF, s11  }
0x16: {  	s31 =	sadd.s32 $0xFFFFFFFF, s11;
	s14 =	sshll.u32 @!p0 s10, $0x9;
	s13 =	sshll.u32 @!p0 s13, $0xE  }
0x17: {  	s15 =	simm.s32 @!p0 $0x0;
	s14 =	sadd.s32 @!p0 s2, s14;
	s13 =	sand.u32 @!p0 $0x4000, s13  }
0x18: {  	[tilespmem:s13], [sflag:$0x1] =	stream.linear.gather @!p0 [hbm4b:s14+s15], $0x4000, $0x38;
	[tilespmem:$0x10000] =	vst v63  }
0x19: {  	p0 =	sge.u32 s31, s6  }
.Ltmp2:
0x1a: {  	_ = 	snop;
	(pc) =	sbr.rel @p0 .LBB1_9-.Ltmp2, $1  }
0x1b: {  	_ =	sdelay $0x3  }
0x1c: {  	s14 =	sand.u32 $0x4000, s9  }
0x1d: {  	_ =	swait.ge [sflag:s5], $0x4000;
	s15 =	sshll.u32 s11, $0xE;
	s16 =	simm.s32 $0x0  }
0x1e: {  	s13 =	sor.u32 $0x40, s14;
	[sflag:s5] =	ssyncset.done $0x0;
	s15 =	sand.u32 $0x4000, s15  }
0x1f: {  	s14 =	sor.u32 $0x8040, s14;
	[sflag:s5] =	ssyncadd.s32 $0xFFFFC000;
	s15 =	sor.u32 $0x8000, s15  }
.LBB1_3:
0x20: {  	s17 =	smov.u32 s14;
	s18 =	smov.u32 s13;
	s19 =	simm.s32 $0x0  }
.LBB1_4:
0x21: {  	v0 =	vmov s17;
	v2 =	vld [tilespmem:s18+$0x30]  }
0x22: {  	v4 =	vld [tilespmem:s18+$0xFFFFFFD0]  }
0x23: {  	v6 =	vld [tilespmem:s18+$0xFFFFFFE0]  }
0x24: {  	v7 =	vld [tilespmem:s18+$0xFFFFFFF0]  }
0x25: {  	s20 =	simm.s32 $0x0;
	v1 =	vld [tilespmem:s18+$0x0]  }
0x26: {  	v3 =	vld [tilespmem:s18+$0x10];
	[tilespmem:v0+s20+$0x30 ss:$0x1] =	vst.idx.msk $0xffff, v2  }
0x27: {  	v5 =	vld [tilespmem:s18+$0x20];
	[tilespmem:v0+s20+$0xFFFFFFD0 ss:$0x1] =	vst.idx.msk $0xffff, v4  }
0x28: {  	s21 =	sadd.s32 $0x80, s18;
	v2 =	vld [tilespmem:s18+$0xFFFFFFC0];
	[tilespmem:v0+s20+$0xFFFFFFE0 ss:$0x1] =	vst.idx.msk $0xffff, v6  }
0x29: {  	s22 =	simm.s32 $0x800;
	s23 =	simm.s32 $0x1000;
	v4 =	vld [tilespmem:s21+$0x30];
	[tilespmem:v0+s20+$0xFFFFFFF0 ss:$0x1] =	vst.idx.msk $0xffff, v7  }
.LBB1_5:
0x2a: {  	p0 =	sne.s32 s23, $0x3800;
	v6 =	vld [tilespmem:s21+$0xFFFFFFD0];
	[tilespmem:v0+s20+$0x0 ss:$0x1] =	vst.idx.msk $0xffff, v1  }
0x2b: {  	v7 =	vld [tilespmem:s21+$0xFFFFFFE0];
	[tilespmem:v0+s20+$0x10 ss:$0x1] =	vst.idx.msk $0xffff, v3  }
0x2c: {  	v8 =	vld [tilespmem:s21+$0xFFFFFFF0];
	[tilespmem:v0+s20+$0x20 ss:$0x1] =	vst.idx.msk $0xffff, v5  }
.Ltmp3:
0x2d: {  	v1 =	vld [tilespmem:s21+$0x0];
	[tilespmem:v0+s20+$0xFFFFFFC0 ss:$0x1] =	vst.idx.msk $0xffff, v2;
	s20 =	sshra.s32 s22, $0x2;
	s22 =	smov.u32 s23;
	(pc) =	sbr.rel @p0 .LBB1_5-.Ltmp3, $4  }
0x2e: {  	v3 =	vld [tilespmem:s21+$0x10];
	[tilespmem:v0+s20+$0x30 ss:$0x1] =	vst.idx.msk $0xffff, v4  }
0x2f: {  	[tilespmem:v0+s20+$0xFFFFFFD0 ss:$0x1] =	vst.idx.msk $0xffff, v6;
	v5 =	vld [tilespmem:s21+$0x20]  }
0x30: {  	v2 =	vld [tilespmem:s21+$0xFFFFFFC0];
	[tilespmem:v0+s20+$0xFFFFFFE0 ss:$0x1] =	vst.idx.msk $0xffff, v7;
	s21 =	sadd.s32 $0x80, s21  }
0x31: {  	s23 =	sadd.s32 $0x800, s23;
	v4 =	vld [tilespmem:s21+$0x30];
	[tilespmem:v0+s20+$0xFFFFFFF0 ss:$0x1] =	vst.idx.msk $0xffff, v8  }
0x32: {  	_ =	sdelay $0x3  }
0x33: {  	v6 =	vld [tilespmem:s21+$0xFFFFFFD0];
	[tilespmem:v0+s20+$0x0 ss:$0x1] =	vst.idx.msk $0xffff, v1  }
0x34: {  	v58 =	vld [tilespmem:s21+$0xFFFFFFE0];
	[tilespmem:v0+s20+$0x10 ss:$0x1] =	vst.idx.msk $0xffff, v3  }
0x35: {  	v59 =	vld [tilespmem:s21+$0xFFFFFFF0];
	[tilespmem:v0+s20+$0x20 ss:$0x1] =	vst.idx.msk $0xffff, v5  }
0x36: {  	s22 =	sshra.s32 s22, $0x2;
	v60 =	vld [tilespmem:s21+$0x0];
	[tilespmem:v0+s20+$0xFFFFFFC0 ss:$0x1] =	vst.idx.msk $0xffff, v2  }
0x37: {  	v61 =	vld [tilespmem:s21+$0x10];
	[tilespmem:v0+s22+$0x30 ss:$0x1] =	vst.idx.msk $0xffff, v4  }
0x38: {  	v62 =	vld [tilespmem:s21+$0x20];
	s19 =	sadd.s32 $0x1, s19;
	[tilespmem:v0+s22+$0xFFFFFFD0 ss:$0x1] =	vst.idx.msk $0xffff, v6  }
0x39: {  	v63 =	vld [tilespmem:s21+$0xFFFFFFC0];
	p0 =	sne.s32 s19, $0x4;
	[tilespmem:v0+s22+$0xFFFFFFE0 ss:$0x1] =	vst.idx.msk $0xffff, v58  }
.Ltmp4:
0x3a: {  	[tilespmem:v0+s22+$0xFFFFFFF0 ss:$0x1] =	vst.idx.msk $0xffff, v59;
	(pc) =	sbr.rel @p0 .LBB1_4-.Ltmp4, $4  }
0x3b: {  	[tilespmem:v0+s22+$0x0 ss:$0x1] =	vst.idx.msk $0xffff, v60  }
0x3c: {  	[tilespmem:v0+s22+$0x10 ss:$0x1] =	vst.idx.msk $0xffff, v61  }
0x3d: {  	[tilespmem:v0+s22+$0x20 ss:$0x1] =	vst.idx.msk $0xffff, v62  }
0x3e: {  	s18 =	sadd.s32 $0x400, s18;
	s17 =	sadd.s32 $0x80, s17;
	[tilespmem:v0+s22+$0xFFFFFFC0 ss:$0x1] =	vst.idx.msk $0xffff, v63  }
0x3f: {  	s16 =	sadd.s32 $0x1, s16  }
0x40: {  	p0 =	sne.s32 s16, $0x4  }
.Ltmp5:
0x41: {  	_ = 	snop;
	(pc) =	sbr.rel @p0 .LBB1_3-.Ltmp5, $2  }
0x42: {  	_ =	sdelay $0x2  }
0x43: {  	s13 =	sadd.s32 $0x1000, s13;
	s14 =	sadd.s32 $0x1000, s14  }
.Ltmp6:
0x44: {  	(pc) =	sbr.rel .LBB1_9-.Ltmp6, $4  }
0x45: {  	_ = 	snop  }
0x46: {  	s12 =	sshll.u32 s12, $0x9  }
0x47: {  	s12 =	sadd.s32 s4, s12  }
0x48: {  	[hbm4b:s12+s8] =	stream.linear.scatter [tilespmem:s15], [sflag:$0x2], $0x4000, $0x38;
	[tilespmem:$0x10000] =	vst v63  }
.LBB1_10:
0x49: {  	_ =	sfence.sel $0x180000  }
0x4a: {  	s2 =	simm.s32 $0x1;
	[bflag:$0x0] =	sbarrier.arrive $0xFFFF  }
0x4b: {  	s31 =	simm.s32 $0x2;
	[sflag:s2] =	ssyncpa.u1 $0x1  }
0x4c: {  	[sflag:s31] =	ssyncpa.u1 $0x1  }
0x4d: {  	p0 =	sne.s32 s0, $0x0;
	_ =	strace $0x90000047  }
0x4e: {  	s0 =	sadd.s32 @!p0 $0x100000, s1;
	[bflag:$0x2] =	sbarrier.arrive $0xFFFF  }
0x4f: {  	[sflag:s0] =	ssyncadd.tile.s32 @!p0 $0x1;
	_ =	shalt  }
.Lfunc_end1:
_tile_overlayer_lowered:
.L_overlay_start_2:
0x50: {  	(tag) =	ssettag $0x2  }
0x51: {  	s0 =	rddreg [dreg:$0x0];
	s2 =	stileid.u32  }
0x52: {  	s1 =	rddreg [dreg:$0x1];
	p0 =	sne.s32 s2, $0x0  }
0x53: {  	s3 =	rddreg [dreg:$0x2];
	[bflag:$0x3] =	sbarrier.arrive $0xFFFF;
	s2 =	simm.s32 @!p0 $0x1C01  }
0x54: {  	[timem:s3], [sflag:s2] =	dma.local @!p0 [hbm:s0], s1  }
0x55: {  	s0 =	simm.s32 @!p0 $0x1  }
0x56: {  	_ =	swait.ge @!p0 [sflag:s0], s1  }
0x57: {  	s1 =	ssub.s32 @!p0 $0x0, s1;
	[sflag:s0] =	ssyncset.done @!p0 $0x0  }
0x58: {  	[sflag:s0] =	ssyncadd.s32 @!p0 s1  }
0x59: {  	[bflag:$0x3] =	sbarrier.arrive $0xFFFF  }
0x5a: {  	_ =	shalt  }

</sc_bundles>
